<compile_context>
chip_gen: v7x
topology: tpu7x:2x2x1
jax: 0.10.2.dev20260603
libtpu: 0.0.44.dev20260713+nightly
codegen_flags: <defaults>
</compile_context>

<pallas_src>
import dataclasses
import functools

import jax
import jax.numpy as jnp
from jax import lax
from jax.experimental import pallas as pl
from jax.experimental.pallas import tpu as pltpu
from jax.experimental.pallas import tpu_sc as plsc

_NC = 2
_NS = 16
_LN = 16
_N = 10000
_D = 128
_NR = 10112
_RPT = _NR // _NS
_CH = 128
_CHUNKS = 80
_EP = _NC * _NS * _CHUNKS * _CH

_mesh = plsc.VectorSubcoreMesh(core_axis_name="c", subcore_axis_name="s")

_sc_params = pltpu.CompilerParams()
if "needs_layout_passes" in pltpu.CompilerParams.__dataclass_fields__:
    _sc_params = dataclasses.replace(_sc_params, needs_layout_passes=False)


def _fill(ref, value):
    width = ref.shape[1]

    @pl.loop(0, ref.shape[0])
    def _(r):
        @pl.loop(0, width // _LN)
        def _(j):
            ref[r, pl.ds(j * _LN, _LN)] = jnp.full((_LN,), value, jnp.float32)


def _zero_acc(zsrc, acc, row0):
    nz = zsrc.shape[0]

    @pl.loop(0, _RPT // nz)
    def _(j):
        pltpu.sync_copy(zsrc, acc.at[pl.ds(row0 + j * nz, nz)])

    rem = _RPT % nz
    if rem:
        pltpu.sync_copy(zsrc.at[pl.ds(0, rem)],
                        acc.at[pl.ds(row0 + (_RPT // nz) * nz, rem)])


def _sc_degree(dst_pad):

    @functools.partial(
        pl.kernel,
        out_type=jax.ShapeDtypeStruct((_NC * _NS, _NR), jnp.float32),
        mesh=_mesh,
        compiler_params=_sc_params,
        scratch_types=[
            pltpu.VMEM((_CH,), jnp.int32),
            pltpu.VMEM((_NR,), jnp.float32),
        ],
    )
    def k(dst_hbm, out_hbm, dstv, deg1):
        c = lax.axis_index("c")
        s = lax.axis_index("s")
        wid = s * _NC + c

        @pl.loop(0, _NR // _LN)
        def _(i):
            deg1[pl.ds(i * _LN, _LN)] = jnp.zeros((_LN,), jnp.float32)

        base0 = wid * (_CHUNKS * _CH)
        ones16 = jnp.ones((_LN,), jnp.float32)

        @pl.loop(0, _CHUNKS)
        def _(i):
            base = pl.multiple_of(base0 + i * _CH, _CH)
            pltpu.sync_copy(dst_hbm.at[pl.ds(base, _CH)], dstv)

            @pl.loop(0, _CH // _LN)
            def _(j):
                idx = dstv[pl.ds(j * _LN, _LN)]
                plsc.addupdate_scatter(deg1, [idx], ones16)

        pltpu.sync_copy(deg1, out_hbm.at[wid])

    return k(dst_pad)


def _sc_scatter(g, src_pad, dst2):

    @functools.partial(
        pl.kernel,
        out_type=jax.ShapeDtypeStruct((_NC, _NR, _D), jnp.float32),
        mesh=_mesh,
        scratch_types=[
            pltpu.VMEM((_CHUNKS * _CH,), jnp.int32),
            pltpu.VMEM((_CHUNKS, _CH), jnp.int32),
            pltpu.VMEM((_CH, _D), jnp.float32),
            pltpu.VMEM_SHARED((_NR, _D), jnp.float32),
        ],
    )
    def k(g_hbm, src_hbm, dst_hbm, out_hbm, srcall, dstall, rows, acc):
        c = lax.axis_index("c")
        s = lax.axis_index("s")
        wid = s * _NC + c
        _fill(rows, 0.0)
        row0 = s * _RPT
        _zero_acc(rows, acc, row0)
        base0 = wid * (_CHUNKS * _CH)
        pltpu.sync_copy(src_hbm.at[pl.ds(base0, _CHUNKS * _CH)], srcall)
        pltpu.sync_copy(dst_hbm.at[pl.ds(wid * _CHUNKS, _CHUNKS)], dstall)
        plsc.subcore_barrier()

        @pl.loop(0, _CHUNKS)
        def _(i):
            pltpu.sync_copy(g_hbm.at[srcall.at[pl.ds(i * _CH, _CH)]], rows)
            pltpu.sync_copy(rows, acc.at[dstall.at[i]], add=True)

        plsc.subcore_barrier()
        pltpu.sync_copy(acc.at[pl.ds(row0, _RPT)],
                        out_hbm.at[c].at[pl.ds(row0, _RPT)])

    return k(g, src_pad, dst2)


def _tc_dinv(deg32):

    def body(deg_ref, out_ref):
        d = jnp.sum(deg_ref[...], axis=0, keepdims=True) + 1.0
        out_ref[...] = lax.rsqrt(d)

    return pl.pallas_call(
        body,
        out_shape=jax.ShapeDtypeStruct((1, _NR), jnp.float32),
    )(deg32)


def _tc_mm_scale(h, W, dinv):
    br = 1000

    def body(h_ref, w_ref, dinv_ref, out_ref):
        hw = jnp.dot(h_ref[...], w_ref[...],
                     preferred_element_type=jnp.float32)
        out_ref[...] = hw * dinv_ref[...]

    return pl.pallas_call(
        body,
        grid=(_N // br,),
        in_specs=[
            pl.BlockSpec((br, _D), lambda i: (i, 0)),
            pl.BlockSpec((_D, _D), lambda i: (0, 0)),
            pl.BlockSpec((br, 1), lambda i: (i, 0)),
        ],
        out_specs=pl.BlockSpec((br, _D), lambda i: (i, 0)),
        out_shape=jax.ShapeDtypeStruct((_N, _D), jnp.float32),
    )(h, W, dinv)


def _tc_merge(acc, g, dinv, b2):
    br = 1000

    def body(acc_ref, g_ref, dinv_ref, b_ref, out_ref):
        a = acc_ref[0, :, :] + acc_ref[1, :, :] + g_ref[...]
        out_ref[...] = jnp.maximum(a * dinv_ref[...] + b_ref[...], 0.0)

    return pl.pallas_call(
        body,
        grid=(_N // br,),
        in_specs=[
            pl.BlockSpec((_NC, br, _D), lambda i: (0, i, 0)),
            pl.BlockSpec((br, _D), lambda i: (i, 0)),
            pl.BlockSpec((br, 1), lambda i: (i, 0)),
            pl.BlockSpec((1, _D), lambda i: (0, 0)),
        ],
        out_specs=pl.BlockSpec((br, _D), lambda i: (i, 0)),
        out_shape=jax.ShapeDtypeStruct((_N, _D), jnp.float32),
    )(acc, g, dinv, b2)


def _tc_fc(h, fcw_row, fcb):

    def body(h_ref, w_ref, b_ref, out_ref):
        out_ref[...] = jnp.sum(h_ref[0:1, :] * w_ref[...], axis=1,
                               keepdims=True) + b_ref[...]

    return pl.pallas_call(
        body,
        grid=(1,),
        in_specs=[
            pl.BlockSpec((8, _D), lambda i: (0, 0)),
            pl.BlockSpec((1, _D), lambda i: (0, 0)),
            pl.BlockSpec((1, 1), lambda i: (0, 0)),
        ],
        out_specs=pl.BlockSpec((1, 1), lambda i: (0, 0)),
        out_shape=jax.ShapeDtypeStruct((1, 1), jnp.float32),
    )(h, fcw_row, fcb)


def kernel(x, edge_index, depth, W, b, fc_W, fc_b):
    src = edge_index[0]
    dst = edge_index[1]
    pad = _EP - src.shape[0]
    src_p = jnp.concatenate([src, jnp.zeros((pad,), jnp.int32)])
    dst_p = jnp.concatenate([dst, jnp.full((pad,), _N, jnp.int32)])
    dst2 = dst_p.reshape(_EP // _CH, _CH)

    deg32 = _sc_degree(dst_p)
    dinv = _tc_dinv(deg32).reshape(_NR, 1)
    b2 = b.reshape(1, _D)

    def body(_, h):
        g = _tc_mm_scale(h, W, dinv)
        acc = _sc_scatter(g, src_p, dst2)
        return _tc_merge(acc, g, dinv, b2)

    h = lax.fori_loop(0, depth, body, x)
    out = _tc_fc(h, fc_W.reshape(1, _D), fc_b.reshape(1, 1))
    return out.reshape(1)

# --- scband reference (transcript-rebuilt; emitter-appended) ---
"""Pipeline reference for scband-simple-rec-gnn-27522150432989 (READ-ONLY COPY).

The authoritative reference and input builder live on the scoring server;
editing this copy changes nothing except your own understanding.
"""

import jax, jax.numpy as jnp
import numpy as np

N_NODES = 10000
D_FEAT = 128
N_EDGES = 320000
DEPTH = 3


def setup_inputs(seed: int = 0) -> dict:
    key = jax.random.key(seed)
    ks = jax.random.split(key, 6)
    x = jax.random.normal(ks[0], (N_NODES, D_FEAT), dtype=jnp.float32)
    edge_index = jax.random.randint(ks[1], (2, N_EDGES), 0, N_NODES, dtype=jnp.int32)
    # GCNConv parameters (shared across all depth iterations, as in the torch module)
    W = jax.random.normal(ks[2], (D_FEAT, D_FEAT), dtype=jnp.float32) * (1.0 / np.sqrt(D_FEAT))
    b = jnp.zeros((D_FEAT,), dtype=jnp.float32)
    # Final linear layer fc: Linear(num_node_features, 1)
    fc_W = jax.random.normal(ks[3], (D_FEAT, 1), dtype=jnp.float32) * (1.0 / np.sqrt(D_FEAT))
    fc_b = jnp.zeros((1,), dtype=jnp.float32)
    return {"x": x, "edge_index": edge_index, "depth": DEPTH, "W": W, "b": b, "fc_W": fc_W, "fc_b": fc_b}


def reference(x, edge_index, depth, W, b, fc_W, fc_b):
    N = x.shape[0]
    src = edge_index[0]
    dst = edge_index[1]
    # GCNConv adds self-loops and uses symmetric D^-1/2 (A+I) D^-1/2 normalization
    loop = jnp.arange(N, dtype=src.dtype)
    src_a = jnp.concatenate([src, loop])
    dst_a = jnp.concatenate([dst, loop])
    deg = jnp.zeros((N,), dtype=x.dtype).at[dst_a].add(1.0)
    dinv = jnp.where(deg > 0, jax.lax.rsqrt(jnp.maximum(deg, 1e-12)), 0.0)
    norm = dinv[src_a] * dinv[dst_a]

    def body(_, h):
        hw = h @ W
        msg = hw[src_a] * norm[:, None]
        h = jnp.zeros_like(hw).at[dst_a].add(msg) + b
        h = jax.nn.relu(h)
        # F.dropout(training=self.training): module in eval mode -> identity
        return h

    h = jax.lax.fori_loop(0, depth, body, x)
    out = h[0] @ fc_W + fc_b
    return out

if __name__ == "__main__":
    import jax
    _d = setup_inputs()
    print(jax.jit(kernel)(*tuple(_d.values())))

</pallas_src>

<mosaic_0001>
#map = affine_map<(d0, d1) -> (0)>
#map1 = affine_map<(d0, d1) -> (0, 0)>
module attributes {stable_mosaic.version = 14 : i64} {
  func.func @k(%arg0: i32, %arg1: i32, %arg2: memref<327680xi32, #tpu.memory_space<hbm>>, %arg3: memref<32x10112xf32, #tpu.memory_space<hbm>>, %arg4: memref<128xi32, #tpu.memory_space<vmem>>, %arg5: memref<10112xf32, #tpu.memory_space<vmem>>) attributes {dimension_semantics = [#tpu.dimension_semantics<core_parallel>, #tpu.dimension_semantics<subcore_parallel>], iteration_bounds = array<i64: 2, 16>, scalar_prefetch = 0 : i64, scratch_operands = 2 : i64, tpu.core_type = #tpu.core_type<sc_vector_subcore>, window_params = [{transform_indices = #map}, {transform_indices = #map1}]} {
    %mul3A = arith.constant 2 : i32
    %mul3A_0 = arith.muli %arg1, %mul3A : i32
    %add3A = arith.addi %mul3A_0, %arg0 : i32
    %scan3A = arith.constant 0 : i32
    %scan3A_1 = arith.constant 632 : i32
    %scan3A_2 = arith.addi %scan3A, %scan3A_1 : i32
    %scan3A_3 = arith.constant 1 : i32
    scf.for %scan3A_13 = %scan3A to %scan3A_2 step %scan3A_3  : i32 {
      %mul3A_14 = arith.constant 1 : i32
      %mul3A_15 = arith.muli %scan3A_13, %mul3A_14 : i32
      %add3A_16 = arith.constant 0 : i32
      %add3A_17 = arith.addi %add3A_16, %mul3A_15 : i32
      %broadcast_in_dim3A_18 = arith.constant 0.000000e+00 : f32
      %broadcast_in_dim3A_19 = vector.broadcast %broadcast_in_dim3A_18 : f32 to vector<16xf32>
      %mul3A_20 = arith.constant 16 : i32
      %mul3A_21 = arith.muli %add3A_17, %mul3A_20 : i32
      %swap3A = arith.index_cast %mul3A_21 : i32 to index
      %swap3A_22 = tpu.vector_load %arg5[%swap3A] {strides = array<i32>} : memref<10112xf32, #tpu.memory_space<vmem>>, vector<16xf32>,
      tpu.vector_store %arg5[%swap3A], %broadcast_in_dim3A_19 {strides = array<i32>} : memref<10112xf32, #tpu.memory_space<vmem>>, vector<16xf32>,
    }
    %scan3A_4 = arith.constant 632 : i32
    %mul3A_5 = arith.constant 10240 : i32
    %mul3A_6 = arith.muli %add3A, %mul3A_5 : i32
    %broadcast_in_dim3A = arith.constant 1.000000e+00 : f32
    %broadcast_in_dim3A_7 = vector.broadcast %broadcast_in_dim3A : f32 to vector<16xf32>
    %scan3A_8 = arith.constant 0 : i32
    %scan3A_9 = arith.constant 80 : i32
    %scan3A_10 = arith.addi %scan3A_8, %scan3A_9 : i32
    %scan3A_11 = arith.constant 1 : i32
    scf.for %scan3A_13 = %scan3A_8 to %scan3A_10 step %scan3A_11  : i32 {
      %mul3A_14 = arith.constant 1 : i32
      %mul3A_15 = arith.muli %scan3A_13, %mul3A_14 : i32
      %add3A_16 = arith.constant 0 : i32
      %add3A_17 = arith.addi %add3A_16, %mul3A_15 : i32
      %mul3A_18 = arith.constant 128 : i32
      %mul3A_19 = arith.muli %add3A_17, %mul3A_18 : i32
      %add3A_20 = arith.addi %mul3A_6, %mul3A_19 : i32
      %multiple_of3A = tpu.assume_multiple %add3A_20, 128 : i32
      "tpu.region"() ({
        %run_scoped3A = tpu.sem_alloc : memref<!tpu.dma_semaphore, #tpu.memory_space<semaphore_mem>>
        %dma_start3A = tpu.memref_slice %arg2[%multiple_of3A] : memref<327680xi32, #tpu.memory_space<hbm>> -> memref<128xi32, #tpu.memory_space<hbm>>
        %dma_start3A_26 = tpu.memref_slice %arg2[%multiple_of3A] : memref<327680xi32, #tpu.memory_space<hbm>> -> memref<128xi32, #tpu.memory_space<hbm>>
        tpu.enqueue_dma source(%dma_start3A_26 : memref<128xi32, #tpu.memory_space<hbm>>) target(%arg4 : memref<128xi32, #tpu.memory_space<vmem>>) target_semaphore(%run_scoped3A : memref<!tpu.dma_semaphore, #tpu.memory_space<semaphore_mem>>)
        %dma_wait3A = tpu.memref_slice %arg2[%multiple_of3A] : memref<327680xi32, #tpu.memory_space<hbm>> -> memref<128xi32, #tpu.memory_space<hbm>>
        %dma_wait3A_27 = tpu.memref_slice %arg2[%multiple_of3A] : memref<327680xi32, #tpu.memory_space<hbm>> -> memref<128xi32, #tpu.memory_space<hbm>>
        tpu.wait_dma2 semaphore(%run_scoped3A : memref<!tpu.dma_semaphore, #tpu.memory_space<semaphore_mem>>) src(%dma_wait3A_27 : memref<128xi32, #tpu.memory_space<hbm>>) dst(%arg4 : memref<128xi32, #tpu.memory_space<vmem>>)
        tpu.yield
      }) : () -> ()
      %scan3A_21 = arith.constant 0 : i32
      %scan3A_22 = arith.constant 8 : i32
      %scan3A_23 = arith.addi %scan3A_21, %scan3A_22 : i32
      %scan3A_24 = arith.constant 1 : i32
      scf.for %scan3A_26 = %scan3A_21 to %scan3A_23 step %scan3A_24  : i32 {
        %mul3A_27 = arith.constant 1 : i32
        %mul3A_28 = arith.muli %scan3A_26, %mul3A_27 : i32
        %add3A_29 = arith.constant 0 : i32
        %add3A_30 = arith.addi %add3A_29, %mul3A_28 : i32
        %mul3A_31 = arith.constant 16 : i32
        %mul3A_32 = arith.muli %add3A_30, %mul3A_31 : i32
        %get3A = arith.index_cast %mul3A_32 : i32 to index
        %get3A_33 = tpu.vector_load %arg4[%get3A] {strides = array<i32>} : memref<128xi32, #tpu.memory_space<vmem>>, vector<16xi32>,
        tpu.vector_store_idx %arg5[%get3A_33], %broadcast_in_dim3A_7 {add = true} : memref<10112xf32, #tpu.memory_space<vmem>>[vector<16xi32>], vector<16xf32>,
      }
      %scan3A_25 = arith.constant 8 : i32
    }
    %scan3A_12 = arith.constant 80 : i32
    "tpu.region"() ({
      %run_scoped3A = tpu.sem_alloc : memref<!tpu.dma_semaphore, #tpu.memory_space<semaphore_mem>>
      %dma_start3A = arith.constant 0 : i32
      %dma_start3A_13 = tpu.memref_slice %arg3[%add3A, %dma_start3A] : memref<32x10112xf32, #tpu.memory_space<hbm>> -> memref<1x10112xf32, #tpu.memory_space<hbm>>
      %dma_start3A_14 = tpu.memref_squeeze %dma_start3A_13 : memref<1x10112xf32, #tpu.memory_space<hbm>> -> memref<10112xf32, #tpu.memory_space<hbm>>
      %dma_start3A_15 = arith.constant 0 : i32
      %dma_start3A_16 = tpu.memref_slice %arg3[%add3A, %dma_start3A_15] : memref<32x10112xf32, #tpu.memory_space<hbm>> -> memref<1x10112xf32, #tpu.memory_space<hbm>>
      %dma_start3A_17 = tpu.memref_squeeze %dma_start3A_16 : memref<1x10112xf32, #tpu.memory_space<hbm>> -> memref<10112xf32, #tpu.memory_space<hbm>>
      tpu.enqueue_dma source(%arg5 : memref<10112xf32, #tpu.memory_space<vmem>>) target(%dma_start3A_17 : memref<10112xf32, #tpu.memory_space<hbm>>) target_semaphore(%run_scoped3A : memref<!tpu.dma_semaphore, #tpu.memory_space<semaphore_mem>>)
      %dma_wait3A = arith.constant 0 : i32
      %dma_wait3A_18 = tpu.memref_slice %arg3[%add3A, %dma_wait3A] : memref<32x10112xf32, #tpu.memory_space<hbm>> -> memref<1x10112xf32, #tpu.memory_space<hbm>>
      %dma_wait3A_19 = tpu.memref_squeeze %dma_wait3A_18 : memref<1x10112xf32, #tpu.memory_space<hbm>> -> memref<10112xf32, #tpu.memory_space<hbm>>
      %dma_wait3A_20 = arith.constant 0 : i32
      %dma_wait3A_21 = tpu.memref_slice %arg3[%add3A, %dma_wait3A_20] : memref<32x10112xf32, #tpu.memory_space<hbm>> -> memref<1x10112xf32, #tpu.memory_space<hbm>>
      %dma_wait3A_22 = tpu.memref_squeeze %dma_wait3A_21 : memref<1x10112xf32, #tpu.memory_space<hbm>> -> memref<10112xf32, #tpu.memory_space<hbm>>
      tpu.wait_dma2 semaphore(%run_scoped3A : memref<!tpu.dma_semaphore, #tpu.memory_space<semaphore_mem>>) src(%arg5 : memref<10112xf32, #tpu.memory_space<vmem>>) dst(%dma_wait3A_22 : memref<10112xf32, #tpu.memory_space<hbm>>)
      tpu.yield
    }) : () -> ()
    return
  }
}

#map = affine_map<(d0, d1) -> (0, 0)>
#map1 = affine_map<(d0, d1) -> (0)>
#map2 = affine_map<(d0, d1) -> (0, 0, 0)>
module attributes {stable_mosaic.version = 14 : i64} {
  func.func @k(%arg0: i32, %arg1: i32, %arg2: memref<10000x128xf32, #tpu.memory_space<hbm>>, %arg3: memref<327680xi32, #tpu.memory_space<hbm>>, %arg4: memref<2560x128xi32, #tpu.memory_space<hbm>>, %arg5: memref<2x10112x128xf32, #tpu.memory_space<hbm>>, %arg6: memref<10240xi32, #tpu.memory_space<vmem>>, %arg7: memref<80x128xi32, #tpu.memory_space<vmem>>, %arg8: memref<128x128xf32, #tpu.memory_space<vmem>>, %arg9: memref<10112x128xf32, #tpu.memory_space<vmem_shared>>) attributes {dimension_semantics = [#tpu.dimension_semantics<core_parallel>, #tpu.dimension_semantics<subcore_parallel>], iteration_bounds = array<i64: 2, 16>, scalar_prefetch = 0 : i64, scratch_operands = 4 : i64, tpu.core_type = #tpu.core_type<sc_vector_subcore>, window_params = [{transform_indices = #map}, {transform_indices = #map1}, {transform_indices = #map}, {transform_indices = #map2}]} {
    %mul3A = arith.constant 2 : i32
    %mul3A_0 = arith.muli %arg1, %mul3A : i32
    %add3A = arith.addi %mul3A_0, %arg0 : i32
    %scan3A = arith.constant 0 : i32
    %scan3A_1 = arith.constant 128 : i32
    %scan3A_2 = arith.addi %scan3A, %scan3A_1 : i32
    %scan3A_3 = arith.constant 1 : i32
    scf.for %scan3A_24 = %scan3A to %scan3A_2 step %scan3A_3  : i32 {
      %mul3A_25 = arith.constant 1 : i32
      %mul3A_26 = arith.muli %scan3A_24, %mul3A_25 : i32
      %add3A_27 = arith.constant 0 : i32
      %add3A_28 = arith.addi %add3A_27, %mul3A_26 : i32
      %scan3A_29 = arith.constant 0 : i32
      %scan3A_30 = arith.constant 8 : i32
      %scan3A_31 = arith.addi %scan3A_29, %scan3A_30 : i32
      %scan3A_32 = arith.constant 1 : i32
      scf.for %scan3A_34 = %scan3A_29 to %scan3A_31 step %scan3A_32  : i32 {
        %mul3A_35 = arith.constant 1 : i32
        %mul3A_36 = arith.muli %scan3A_34, %mul3A_35 : i32
        %add3A_37 = arith.constant 0 : i32
        %add3A_38 = arith.addi %add3A_37, %mul3A_36 : i32
        %broadcast_in_dim3A = arith.constant 0.000000e+00 : f32
        %broadcast_in_dim3A_39 = vector.broadcast %broadcast_in_dim3A : f32 to vector<16xf32>
        %mul3A_40 = arith.constant 16 : i32
        %mul3A_41 = arith.muli %add3A_38, %mul3A_40 : i32
        %swap3A = arith.index_cast %add3A_28 : i32 to index
        %swap3A_42 = arith.index_cast %mul3A_41 : i32 to index
        %swap3A_43 = tpu.vector_load %arg8[%swap3A, %swap3A_42] {strides = array<i32>} : memref<128x128xf32, #tpu.memory_space<vmem>>, vector<1x16xf32>,
        %swap3A_44 = vector.shape_cast %swap3A_43 : vector<1x16xf32> to vector<16xf32>
        %swap3A_45 = vector.shape_cast %broadcast_in_dim3A_39 : vector<16xf32> to vector<1x16xf32>
        tpu.vector_store %arg8[%swap3A, %swap3A_42], %swap3A_45 {strides = array<i32>} : memref<128x128xf32, #tpu.memory_space<vmem>>, vector<1x16xf32>,
      }
      %scan3A_33 = arith.constant 8 : i32
    }
    %scan3A_4 = arith.constant 128 : i32
    %mul3A_5 = arith.constant 632 : i32
    %mul3A_6 = arith.muli %arg1, %mul3A_5 : i32
    %scan3A_7 = arith.constant 0 : i32
    %scan3A_8 = arith.constant 4 : i32
    %scan3A_9 = arith.addi %scan3A_7, %scan3A_8 : i32
    %scan3A_10 = arith.constant 1 : i32
    scf.for %scan3A_24 = %scan3A_7 to %scan3A_9 step %scan3A_10  : i32 {
      %mul3A_25 = arith.constant 1 : i32
      %mul3A_26 = arith.muli %scan3A_24, %mul3A_25 : i32
      %add3A_27 = arith.constant 0 : i32
      %add3A_28 = arith.addi %add3A_27, %mul3A_26 : i32
      %mul3A_29 = arith.constant 128 : i32
      %mul3A_30 = arith.muli %add3A_28, %mul3A_29 : i32
      %add3A_31 = arith.addi %mul3A_6, %mul3A_30 : i32
      "tpu.region"() ({
        %run_scoped3A = tpu.sem_alloc : memref<!tpu.dma_semaphore, #tpu.memory_space<semaphore_mem>>
        %dma_start3A = arith.constant 0 : i32
        %dma_start3A_32 = tpu.memref_slice %arg9[%add3A_31, %dma_start3A] : memref<10112x128xf32, #tpu.memory_space<vmem_shared>> -> memref<128x128xf32, #tpu.memory_space<vmem_shared>>
        %dma_start3A_33 = arith.constant 0 : i32
        %dma_start3A_34 = tpu.memref_slice %arg9[%add3A_31, %dma_start3A_33] : memref<10112x128xf32, #tpu.memory_space<vmem_shared>> -> memref<128x128xf32, #tpu.memory_space<vmem_shared>>
        tpu.enqueue_dma source(%arg8 : memref<128x128xf32, #tpu.memory_space<vmem>>) target(%dma_start3A_34 : memref<128x128xf32, #tpu.memory_space<vmem_shared>>) target_semaphore(%run_scoped3A : memref<!tpu.dma_semaphore, #tpu.memory_space<semaphore_mem>>)
        %dma_wait3A = arith.constant 0 : i32
        %dma_wait3A_35 = tpu.memref_slice %arg9[%add3A_31, %dma_wait3A] : memref<10112x128xf32, #tpu.memory_space<vmem_shared>> -> memref<128x128xf32, #tpu.memory_space<vmem_shared>>
        %dma_wait3A_36 = arith.constant 0 : i32
        %dma_wait3A_37 = tpu.memref_slice %arg9[%add3A_31, %dma_wait3A_36] : memref<10112x128xf32, #tpu.memory_space<vmem_shared>> -> memref<128x128xf32, #tpu.memory_space<vmem_shared>>
        tpu.wait_dma2 semaphore(%run_scoped3A : memref<!tpu.dma_semaphore, #tpu.memory_space<semaphore_mem>>) src(%arg8 : memref<128x128xf32, #tpu.memory_space<vmem>>) dst(%dma_wait3A_37 : memref<128x128xf32, #tpu.memory_space<vmem_shared>>)
        tpu.yield
      }) : () -> ()
    }
    %scan3A_11 = arith.constant 4 : i32
    %add3A_12 = arith.constant 512 : i32
    %add3A_13 = arith.addi %mul3A_6, %add3A_12 : i32
    "tpu.region"() ({
      %run_scoped3A = tpu.sem_alloc : memref<!tpu.dma_semaphore, #tpu.memory_space<semaphore_mem>>
      %dma_start3A = arith.constant 0 : i32
      %dma_start3A_24 = arith.constant 0 : i32
      %dma_start3A_25 = tpu.memref_slice %arg8[%dma_start3A, %dma_start3A_24] : memref<128x128xf32, #tpu.memory_space<vmem>> -> memref<120x128xf32, #tpu.memory_space<vmem>>
      %dma_start3A_26 = arith.constant 0 : i32
      %dma_start3A_27 = tpu.memref_slice %arg9[%add3A_13, %dma_start3A_26] : memref<10112x128xf32, #tpu.memory_space<vmem_shared>> -> memref<120x128xf32, #tpu.memory_space<vmem_shared>>
      %dma_start3A_28 = arith.constant 0 : i32
      %dma_start3A_29 = tpu.memref_slice %arg9[%add3A_13, %dma_start3A_28] : memref<10112x128xf32, #tpu.memory_space<vmem_shared>> -> memref<120x128xf32, #tpu.memory_space<vmem_shared>>
      %dma_start3A_30 = arith.constant 0 : i32
      %dma_start3A_31 = arith.constant 0 : i32
      %dma_start3A_32 = tpu.memref_slice %arg8[%dma_start3A_30, %dma_start3A_31] : memref<128x128xf32, #tpu.memory_space<vmem>> -> memref<120x128xf32, #tpu.memory_space<vmem>>
      tpu.enqueue_dma source(%dma_start3A_32 : memref<120x128xf32, #tpu.memory_space<vmem>>) target(%dma_start3A_29 : memref<120x128xf32, #tpu.memory_space<vmem_shared>>) target_semaphore(%run_scoped3A : memref<!tpu.dma_semaphore, #tpu.memory_space<semaphore_mem>>)
      %dma_wait3A = arith.constant 0 : i32
      %dma_wait3A_33 = arith.constant 0 : i32
      %dma_wait3A_34 = tpu.memref_slice %arg8[%dma_wait3A, %dma_wait3A_33] : memref<128x128xf32, #tpu.memory_space<vmem>> -> memref<120x128xf32, #tpu.memory_space<vmem>>
      %dma_wait3A_35 = arith.constant 0 : i32
      %dma_wait3A_36 = tpu.memref_slice %arg9[%add3A_13, %dma_wait3A_35] : memref<10112x128xf32, #tpu.memory_space<vmem_shared>> -> memref<120x128xf32, #tpu.memory_space<vmem_shared>>
      %dma_wait3A_37 = arith.constant 0 : i32
      %dma_wait3A_38 = tpu.memref_slice %arg9[%add3A_13, %dma_wait3A_37] : memref<10112x128xf32, #tpu.memory_space<vmem_shared>> -> memref<120x128xf32, #tpu.memory_space<vmem_shared>>
      %dma_wait3A_39 = arith.constant 0 : i32
      %dma_wait3A_40 = arith.constant 0 : i32
      %dma_wait3A_41 = tpu.memref_slice %arg8[%dma_wait3A_39, %dma_wait3A_40] : memref<128x128xf32, #tpu.memory_space<vmem>> -> memref<120x128xf32, #tpu.memory_space<vmem>>
      tpu.wait_dma2 semaphore(%run_scoped3A : memref<!tpu.dma_semaphore, #tpu.memory_space<semaphore_mem>>) src(%dma_wait3A_41 : memref<120x128xf32, #tpu.memory_space<vmem>>) dst(%dma_wait3A_38 : memref<120x128xf32, #tpu.memory_space<vmem_shared>>)
      tpu.yield
    }) : () -> ()
    %mul3A_14 = arith.constant 10240 : i32
    %mul3A_15 = arith.muli %add3A, %mul3A_14 : i32
    "tpu.region"() ({
      %run_scoped3A = tpu.sem_alloc : memref<!tpu.dma_semaphore, #tpu.memory_space<semaphore_mem>>
      %dma_start3A = tpu.memref_slice %arg3[%mul3A_15] : memref<327680xi32, #tpu.memory_space<hbm>> -> memref<10240xi32, #tpu.memory_space<hbm>>
      %dma_start3A_24 = tpu.memref_slice %arg3[%mul3A_15] : memref<327680xi32, #tpu.memory_space<hbm>> -> memref<10240xi32, #tpu.memory_space<hbm>>
      tpu.enqueue_dma source(%dma_start3A_24 : memref<10240xi32, #tpu.memory_space<hbm>>) target(%arg6 : memref<10240xi32, #tpu.memory_space<vmem>>) target_semaphore(%run_scoped3A : memref<!tpu.dma_semaphore, #tpu.memory_space<semaphore_mem>>)
      %dma_wait3A = tpu.memref_slice %arg3[%mul3A_15] : memref<327680xi32, #tpu.memory_space<hbm>> -> memref<10240xi32, #tpu.memory_space<hbm>>
      %dma_wait3A_25 = tpu.memref_slice %arg3[%mul3A_15] : memref<327680xi32, #tpu.memory_space<hbm>> -> memref<10240xi32, #tpu.memory_space<hbm>>
      tpu.wait_dma2 semaphore(%run_scoped3A : memref<!tpu.dma_semaphore, #tpu.memory_space<semaphore_mem>>) src(%dma_wait3A_25 : memref<10240xi32, #tpu.memory_space<hbm>>) dst(%arg6 : memref<10240xi32, #tpu.memory_space<vmem>>)
      tpu.yield
    }) : () -> ()
    %mul3A_16 = arith.constant 80 : i32
    %mul3A_17 = arith.muli %add3A, %mul3A_16 : i32
    "tpu.region"() ({
      %run_scoped3A = tpu.sem_alloc : memref<!tpu.dma_semaphore, #tpu.memory_space<semaphore_mem>>
      %dma_start3A = arith.constant 0 : i32
      %dma_start3A_24 = tpu.memref_slice %arg4[%mul3A_17, %dma_start3A] : memref<2560x128xi32, #tpu.memory_space<hbm>> -> memref<80x128xi32, #tpu.memory_space<hbm>>
      %dma_start3A_25 = arith.constant 0 : i32
      %dma_start3A_26 = tpu.memref_slice %arg4[%mul3A_17, %dma_start3A_25] : memref<2560x128xi32, #tpu.memory_space<hbm>> -> memref<80x128xi32, #tpu.memory_space<hbm>>
      tpu.enqueue_dma source(%dma_start3A_26 : memref<80x128xi32, #tpu.memory_space<hbm>>) target(%arg7 : memref<80x128xi32, #tpu.memory_space<vmem>>) target_semaphore(%run_scoped3A : memref<!tpu.dma_semaphore, #tpu.memory_space<semaphore_mem>>)
      %dma_wait3A = arith.constant 0 : i32
      %dma_wait3A_27 = tpu.memref_slice %arg4[%mul3A_17, %dma_wait3A] : memref<2560x128xi32, #tpu.memory_space<hbm>> -> memref<80x128xi32, #tpu.memory_space<hbm>>
      %dma_wait3A_28 = arith.constant 0 : i32
      %dma_wait3A_29 = tpu.memref_slice %arg4[%mul3A_17, %dma_wait3A_28] : memref<2560x128xi32, #tpu.memory_space<hbm>> -> memref<80x128xi32, #tpu.memory_space<hbm>>
      tpu.wait_dma2 semaphore(%run_scoped3A : memref<!tpu.dma_semaphore, #tpu.memory_space<semaphore_mem>>) src(%dma_wait3A_29 : memref<80x128xi32, #tpu.memory_space<hbm>>) dst(%arg7 : memref<80x128xi32, #tpu.memory_space<vmem>>)
      tpu.yield
    }) : () -> ()
    %barrier3A = arith.constant 0 : index
    tpu.barrier barrier_id(%barrier3A)
    %scan3A_18 = arith.constant 0 : i32
    %scan3A_19 = arith.constant 80 : i32
    %scan3A_20 = arith.addi %scan3A_18, %scan3A_19 : i32
    %scan3A_21 = arith.constant 1 : i32
    scf.for %scan3A_24 = %scan3A_18 to %scan3A_20 step %scan3A_21  : i32 {
      %mul3A_25 = arith.constant 1 : i32
      %mul3A_26 = arith.muli %scan3A_24, %mul3A_25 : i32
      %add3A_27 = arith.constant 0 : i32
      %add3A_28 = arith.addi %add3A_27, %mul3A_26 : i32
      %mul3A_29 = arith.constant 128 : i32
      %mul3A_30 = arith.muli %add3A_28, %mul3A_29 : i32
      "tpu.region"() ({
        %run_scoped3A = tpu.sem_alloc : memref<!tpu.dma_semaphore, #tpu.memory_space<semaphore_mem>>
        %dma_start3A = tpu.memref_slice %arg6[%mul3A_30] : memref<10240xi32, #tpu.memory_space<vmem>> -> memref<128xi32, #tpu.memory_space<vmem>>
        %dma_start3A_31 = arith.constant 0 : i32
        %dma_start3A_32 = arith.constant 0 : i32
        %dma_start3A_33 = tpu.memref_slice %arg2[%dma_start3A_31, %dma_start3A_32] : memref<10000x128xf32, #tpu.memory_space<hbm>> -> memref<10000x128xf32, #tpu.memory_space<hbm>>
        tpu.enqueue_indirect_dma source(%dma_start3A_33 : memref<10000x128xf32, #tpu.memory_space<hbm>>) target(%arg8 : memref<128x128xf32, #tpu.memory_space<vmem>>) offsets(%dma_start3A : memref<128xi32, #tpu.memory_space<vmem>>) semaphore(%run_scoped3A : memref<!tpu.dma_semaphore, #tpu.memory_space<semaphore_mem>>)
        %dma_wait3A = tpu.memref_slice %arg6[%mul3A_30] : memref<10240xi32, #tpu.memory_space<vmem>> -> memref<128xi32, #tpu.memory_space<vmem>>
        %dma_wait3A_34 = arith.constant 0 : i32
        %dma_wait3A_35 = arith.constant 0 : i32
        %dma_wait3A_36 = tpu.memref_slice %arg2[%dma_wait3A_34, %dma_wait3A_35] : memref<10000x128xf32, #tpu.memory_space<hbm>> -> memref<10000x128xf32, #tpu.memory_space<hbm>>
        tpu.wait_indirect_dma semaphore(%run_scoped3A : memref<!tpu.dma_semaphore, #tpu.memory_space<semaphore_mem>>) src(%dma_wait3A_36 : memref<10000x128xf32, #tpu.memory_space<hbm>>) dst(%arg8 : memref<128x128xf32, #tpu.memory_space<vmem>>)
        tpu.yield
      }) : () -> ()
      "tpu.region"() ({
        %run_scoped3A = tpu.sem_alloc : memref<!tpu.dma_semaphore, #tpu.memory_space<semaphore_mem>>
        %dma_start3A = arith.constant 0 : i32
        %dma_start3A_31 = tpu.memref_slice %arg7[%add3A_28, %dma_start3A] : memref<80x128xi32, #tpu.memory_space<vmem>> -> memref<1x128xi32, #tpu.memory_space<vmem>>
        %dma_start3A_32 = tpu.memref_squeeze %dma_start3A_31 : memref<1x128xi32, #tpu.memory_space<vmem>> -> memref<128xi32, #tpu.memory_space<vmem>>
        %dma_start3A_33 = arith.constant 0 : i32
        %dma_start3A_34 = arith.constant 0 : i32
        %dma_start3A_35 = tpu.memref_slice %arg9[%dma_start3A_33, %dma_start3A_34] : memref<10112x128xf32, #tpu.memory_space<vmem_shared>> -> memref<10112x128xf32, #tpu.memory_space<vmem_shared>>
        tpu.enqueue_indirect_dma source(%arg8 : memref<128x128xf32, #tpu.memory_space<vmem>>) target(%dma_start3A_35 : memref<10112x128xf32, #tpu.memory_space<vmem_shared>>) offsets(%dma_start3A_32 : memref<128xi32, #tpu.memory_space<vmem>>) semaphore(%run_scoped3A : memref<!tpu.dma_semaphore, #tpu.memory_space<semaphore_mem>>) {add = true}
        %dma_wait3A = arith.constant 0 : i32
        %dma_wait3A_36 = tpu.memref_slice %arg7[%add3A_28, %dma_wait3A] : memref<80x128xi32, #tpu.memory_space<vmem>> -> memref<1x128xi32, #tpu.memory_space<vmem>>
        %dma_wait3A_37 = tpu.memref_squeeze %dma_wait3A_36 : memref<1x128xi32, #tpu.memory_space<vmem>> -> memref<128xi32, #tpu.memory_space<vmem>>
        %dma_wait3A_38 = arith.constant 0 : i32
        %dma_wait3A_39 = arith.constant 0 : i32
        %dma_wait3A_40 = tpu.memref_slice %arg9[%dma_wait3A_38, %dma_wait3A_39] : memref<10112x128xf32, #tpu.memory_space<vmem_shared>> -> memref<10112x128xf32, #tpu.memory_space<vmem_shared>>
        tpu.wait_indirect_dma semaphore(%run_scoped3A : memref<!tpu.dma_semaphore, #tpu.memory_space<semaphore_mem>>) src(%arg8 : memref<128x128xf32, #tpu.memory_space<vmem>>) dst(%dma_wait3A_40 : memref<10112x128xf32, #tpu.memory_space<vmem_shared>>)
        tpu.yield
      }) : () -> ()
    }
    %scan3A_22 = arith.constant 80 : i32
    %barrier3A_23 = arith.constant 0 : index
    tpu.barrier barrier_id(%barrier3A_23)
    "tpu.region"() ({
      %run_scoped3A = tpu.sem_alloc : memref<!tpu.dma_semaphore, #tpu.memory_space<semaphore_mem>>
      %dma_start3A = arith.constant 0 : i32
      %dma_start3A_24 = arith.constant 0 : i32
      %dma_start3A_25 = tpu.memref_slice %arg5[%arg0, %dma_start3A, %dma_start3A_24] : memref<2x10112x128xf32, #tpu.memory_space<hbm>> -> memref<1x10112x128xf32, #tpu.memory_space<hbm>>
      %dma_start3A_26 = tpu.memref_squeeze %dma_start3A_25 : memref<1x10112x128xf32, #tpu.memory_space<hbm>> -> memref<10112x128xf32, #tpu.memory_space<hbm>>
      %dma_start3A_27 = arith.constant 0 : i32
      %dma_start3A_28 = tpu.memref_slice %dma_start3A_26[%mul3A_6, %dma_start3A_27] : memref<10112x128xf32, #tpu.memory_space<hbm>> -> memref<632x128xf32, #tpu.memory_space<hbm>>
      %dma_start3A_29 = arith.constant 0 : i32
      %dma_start3A_30 = tpu.memref_slice %arg9[%mul3A_6, %dma_start3A_29] : memref<10112x128xf32, #tpu.memory_space<vmem_shared>> -> memref<632x128xf32, #tpu.memory_space<vmem_shared>>
      tpu.enqueue_dma source(%dma_start3A_30 : memref<632x128xf32, #tpu.memory_space<vmem_shared>>) target(%dma_start3A_28 : memref<632x128xf32, #tpu.memory_space<hbm>>) target_semaphore(%run_scoped3A : memref<!tpu.dma_semaphore, #tpu.memory_space<semaphore_mem>>)
      %dma_wait3A = arith.constant 0 : i32
      %dma_wait3A_31 = arith.constant 0 : i32
      %dma_wait3A_32 = tpu.memref_slice %arg5[%arg0, %dma_wait3A, %dma_wait3A_31] : memref<2x10112x128xf32, #tpu.memory_space<hbm>> -> memref<1x10112x128xf32, #tpu.memory_space<hbm>>
      %dma_wait3A_33 = tpu.memref_squeeze %dma_wait3A_32 : memref<1x10112x128xf32, #tpu.memory_space<hbm>> -> memref<10112x128xf32, #tpu.memory_space<hbm>>
      %dma_wait3A_34 = arith.constant 0 : i32
      %dma_wait3A_35 = tpu.memref_slice %dma_wait3A_33[%mul3A_6, %dma_wait3A_34] : memref<10112x128xf32, #tpu.memory_space<hbm>> -> memref<632x128xf32, #tpu.memory_space<hbm>>
      %dma_wait3A_36 = arith.constant 0 : i32
      %dma_wait3A_37 = tpu.memref_slice %arg9[%mul3A_6, %dma_wait3A_36] : memref<10112x128xf32, #tpu.memory_space<vmem_shared>> -> memref<632x128xf32, #tpu.memory_space<vmem_shared>>
      tpu.wait_dma2 semaphore(%run_scoped3A : memref<!tpu.dma_semaphore, #tpu.memory_space<semaphore_mem>>) src(%dma_wait3A_37 : memref<632x128xf32, #tpu.memory_space<vmem_shared>>) dst(%dma_wait3A_35 : memref<632x128xf32, #tpu.memory_space<hbm>>)
      tpu.yield
    }) : () -> ()
    return
  }
}

module attributes {stable_mosaic.version = 14 : i64} {
  func.func @body(%arg0: memref<32x10112xf32, #tpu.memory_space<vmem>>, %arg1: memref<1x10112xf32, #tpu.memory_space<vmem>>) attributes {dimension_semantics = [], scalar_prefetch = 0 : i64, scratch_operands = 0 : i64, tpu.core_type = #tpu.core_type<tc>} {
    %get3A = arith.constant 0 : index
    %get3A_0 = arith.constant 0 : index
    %get3A_1 = vector.load %arg0[%get3A, %get3A_0] : memref<32x10112xf32, #tpu.memory_space<vmem>>, vector<32x10112xf32>
    %reduce_sum3A = arith.constant dense<0.000000e+00> : vector<10112xf32>
    %reduce_sum3A_2 = vector.multi_reduction <add>, %get3A_1, %reduce_sum3A [0] : vector<32x10112xf32> to vector<10112xf32>
    %broadcast_in_dim3A = vector.shape_cast %reduce_sum3A_2 : vector<10112xf32> to vector<1x10112xf32>
    %add3A = arith.constant 1.000000e+00 : f32
    %add3A_3 = vector.broadcast %add3A : f32 to vector<1x10112xf32>
    %add3A_4 = arith.addf %broadcast_in_dim3A, %add3A_3 : vector<1x10112xf32>
    %rsqrt3A = math.rsqrt %add3A_4 : vector<1x10112xf32>
    %swap3A = arith.constant 0 : index
    %swap3A_5 = arith.constant 0 : index
    %swap3A_6 = vector.load %arg1[%swap3A, %swap3A_5] : memref<1x10112xf32, #tpu.memory_space<vmem>>, vector<1x10112xf32>
    tpu.vector_store %arg1[%swap3A, %swap3A_5], %rsqrt3A {strides = array<i32>} : memref<1x10112xf32, #tpu.memory_space<vmem>>, vector<1x10112xf32>,
    return
  }
}

module attributes {stable_mosaic.version = 14 : i64} {
  func.func @body(%arg0: i32, %arg1: memref<1000x128xf32, #tpu.memory_space<vmem>>, %arg2: memref<128x128xf32, #tpu.memory_space<vmem>>, %arg3: memref<1000x1xf32, #tpu.memory_space<vmem>>, %arg4: memref<1000x128xf32, #tpu.memory_space<vmem>>) attributes {dimension_semantics = [#tpu.dimension_semantics<arbitrary>], iteration_bounds = array<i64: 10>, scalar_prefetch = 0 : i64, scratch_operands = 0 : i64, tpu.core_type = #tpu.core_type<tc>, window_params = [{transform_indices = @transform_0, window_bounds = array<i64: 1000, 128>}, {pipeline_mode = #tpu.pipeline_mode<synchronous>, transform_indices = @transform_1, window_bounds = array<i64: 128, 128>}, {transform_indices = @transform_2, window_bounds = array<i64: 1000, 1>}, {transform_indices = @transform_3, window_bounds = array<i64: 1000, 128>}]} {
    %get3A = arith.constant 0 : index
    %get3A_0 = arith.constant 0 : index
    %get3A_1 = vector.load %arg1[%get3A, %get3A_0] : memref<1000x128xf32, #tpu.memory_space<vmem>>, vector<1000x128xf32>
    %get3A_2 = arith.constant 0 : index
    %get3A_3 = arith.constant 0 : index
    %get3A_4 = vector.load %arg2[%get3A_2, %get3A_3] : memref<128x128xf32, #tpu.memory_space<vmem>>, vector<128x128xf32>
    %dot_general3A = arith.constant dense<0.000000e+00> : vector<1000x128xf32>
    %dot_general3A_5 = tpu.matmul %get3A_1, %get3A_4, %dot_general3A {dimension_numbers = #tpu.dot_dimension_numbers<[1], [0], [0], [1], [0, 0, 1, 1], [], []>, transpose_lhs_hint = false} : vector<1000x128xf32>, vector<128x128xf32>, vector<1000x128xf32> -> vector<1000x128xf32>
    %get3A_6 = arith.constant 0 : index
    %get3A_7 = arith.constant 0 : index
    %get3A_8 = vector.load %arg3[%get3A_6, %get3A_7] : memref<1000x1xf32, #tpu.memory_space<vmem>>, vector<1000x1xf32>
    %mul3A = vector.broadcast %get3A_8 : vector<1000x1xf32> to vector<1000x128xf32>
    %mul3A_9 = arith.mulf %dot_general3A_5, %mul3A : vector<1000x128xf32>
    %swap3A = arith.constant 0 : index
    %swap3A_10 = arith.constant 0 : index
    %swap3A_11 = vector.load %arg4[%swap3A, %swap3A_10] : memref<1000x128xf32, #tpu.memory_space<vmem>>, vector<1000x128xf32>
    tpu.vector_store %arg4[%swap3A, %swap3A_10], %mul3A_9 {strides = array<i32>} : memref<1000x128xf32, #tpu.memory_space<vmem>>, vector<1000x128xf32>,
    return
  }
  func.func @transform_0(%arg0: i32) -> (i32, i32) {
    %c0_i32 = arith.constant 0 : i32
    %c0_i32_0 = arith.constant 0 : i32
    return %arg0, %c0_i32 : i32, i32
  }
  func.func @transform_1(%arg0: i32) -> (i32, i32) {
    %c0_i32 = arith.constant 0 : i32
    %c0_i32_0 = arith.constant 0 : i32
    %c0_i32_1 = arith.constant 0 : i32
    return %c0_i32, %c0_i32_0 : i32, i32
  }
  func.func @transform_2(%arg0: i32) -> (i32, i32) {
    %c0_i32 = arith.constant 0 : i32
    %c0_i32_0 = arith.constant 0 : i32
    return %arg0, %c0_i32 : i32, i32
  }
  func.func @transform_3(%arg0: i32) -> (i32, i32) {
    %c0_i32 = arith.constant 0 : i32
    %c0_i32_0 = arith.constant 0 : i32
    return %arg0, %c0_i32 : i32, i32
  }
}

module attributes {stable_mosaic.version = 14 : i64} {
  func.func @body(%arg0: i32, %arg1: memref<2x1000x128xf32, #tpu.memory_space<vmem>>, %arg2: memref<1000x128xf32, #tpu.memory_space<vmem>>, %arg3: memref<1000x1xf32, #tpu.memory_space<vmem>>, %arg4: memref<1x128xf32, #tpu.memory_space<vmem>>, %arg5: memref<1000x128xf32, #tpu.memory_space<vmem>>) attributes {dimension_semantics = [#tpu.dimension_semantics<arbitrary>], iteration_bounds = array<i64: 10>, scalar_prefetch = 0 : i64, scratch_operands = 0 : i64, tpu.core_type = #tpu.core_type<tc>, window_params = [{transform_indices = @transform_0, window_bounds = array<i64: 2, 1000, 128>}, {transform_indices = @transform_1, window_bounds = array<i64: 1000, 128>}, {transform_indices = @transform_2, window_bounds = array<i64: 1000, 1>}, {pipeline_mode = #tpu.pipeline_mode<synchronous>, transform_indices = @transform_3, window_bounds = array<i64: 1, 128>}, {transform_indices = @transform_4, window_bounds = array<i64: 1000, 128>}]} {
    %get3A = arith.constant 0 : index
    %get3A_0 = arith.constant 0 : index
    %get3A_1 = arith.constant 0 : index
    %get3A_2 = vector.load %arg1[%get3A, %get3A_0, %get3A_1] : memref<2x1000x128xf32, #tpu.memory_space<vmem>>, vector<1x1000x128xf32>
    %get3A_3 = vector.shape_cast %get3A_2 : vector<1x1000x128xf32> to vector<1000x128xf32>
    %get3A_4 = arith.constant 1 : index
    %get3A_5 = arith.constant 0 : index
    %get3A_6 = arith.constant 0 : index
    %get3A_7 = vector.load %arg1[%get3A_4, %get3A_5, %get3A_6] : memref<2x1000x128xf32, #tpu.memory_space<vmem>>, vector<1x1000x128xf32>
    %get3A_8 = vector.shape_cast %get3A_7 : vector<1x1000x128xf32> to vector<1000x128xf32>
    %add3A = arith.addf %get3A_3, %get3A_8 : vector<1000x128xf32>
    %get3A_9 = arith.constant 0 : index
    %get3A_10 = arith.constant 0 : index
    %get3A_11 = vector.load %arg2[%get3A_9, %get3A_10] : memref<1000x128xf32, #tpu.memory_space<vmem>>, vector<1000x128xf32>
    %add3A_12 = arith.addf %add3A, %get3A_11 : vector<1000x128xf32>
    %get3A_13 = arith.constant 0 : index
    %get3A_14 = arith.constant 0 : index
    %get3A_15 = vector.load %arg3[%get3A_13, %get3A_14] : memref<1000x1xf32, #tpu.memory_space<vmem>>, vector<1000x1xf32>
    %mul3A = vector.broadcast %get3A_15 : vector<1000x1xf32> to vector<1000x128xf32>
    %mul3A_16 = arith.mulf %add3A_12, %mul3A : vector<1000x128xf32>
    %get3A_17 = arith.constant 0 : index
    %get3A_18 = arith.constant 0 : index
    %get3A_19 = vector.load %arg4[%get3A_17, %get3A_18] : memref<1x128xf32, #tpu.memory_space<vmem>>, vector<1x128xf32>
    %add3A_20 = vector.broadcast %get3A_19 : vector<1x128xf32> to vector<1000x128xf32>
    %add3A_21 = arith.addf %mul3A_16, %add3A_20 : vector<1000x128xf32>
    %max3A = arith.constant 0.000000e+00 : f32
    %max3A_22 = vector.broadcast %max3A : f32 to vector<1000x128xf32>
    %max3A_23 = arith.maximumf %add3A_21, %max3A_22 : vector<1000x128xf32>
    %swap3A = arith.constant 0 : index
    %swap3A_24 = arith.constant 0 : index
    %swap3A_25 = vector.load %arg5[%swap3A, %swap3A_24] : memref<1000x128xf32, #tpu.memory_space<vmem>>, vector<1000x128xf32>
    tpu.vector_store %arg5[%swap3A, %swap3A_24], %max3A_23 {strides = array<i32>} : memref<1000x128xf32, #tpu.memory_space<vmem>>, vector<1000x128xf32>,
    return
  }
  func.func @transform_0(%arg0: i32) -> (i32, i32, i32) {
    %c0_i32 = arith.constant 0 : i32
    %c0_i32_0 = arith.constant 0 : i32
    %c0_i32_1 = arith.constant 0 : i32
    return %c0_i32, %arg0, %c0_i32_0 : i32, i32, i32
  }
  func.func @transform_1(%arg0: i32) -> (i32, i32) {
    %c0_i32 = arith.constant 0 : i32
    %c0_i32_0 = arith.constant 0 : i32
    return %arg0, %c0_i32 : i32, i32
  }
  func.func @transform_2(%arg0: i32) -> (i32, i32) {
    %c0_i32 = arith.constant 0 : i32
    %c0_i32_0 = arith.constant 0 : i32
    return %arg0, %c0_i32 : i32, i32
  }
  func.func @transform_3(%arg0: i32) -> (i32, i32) {
    %c0_i32 = arith.constant 0 : i32
    %c0_i32_0 = arith.constant 0 : i32
    %c0_i32_1 = arith.constant 0 : i32
    return %c0_i32, %c0_i32_0 : i32, i32
  }
  func.func @transform_4(%arg0: i32) -> (i32, i32) {
    %c0_i32 = arith.constant 0 : i32
    %c0_i32_0 = arith.constant 0 : i32
    return %arg0, %c0_i32 : i32, i32
  }
}

module attributes {stable_mosaic.version = 14 : i64} {
  func.func @body(%arg0: i32, %arg1: memref<8x128xf32, #tpu.memory_space<vmem>>, %arg2: memref<1x128xf32, #tpu.memory_space<vmem>>, %arg3: memref<1x1xf32, #tpu.memory_space<vmem>>, %arg4: memref<1x1xf32, #tpu.memory_space<vmem>>) attributes {dimension_semantics = [#tpu.dimension_semantics<arbitrary>], iteration_bounds = array<i64: 1>, scalar_prefetch = 0 : i64, scratch_operands = 0 : i64, tpu.core_type = #tpu.core_type<tc>, window_params = [{transform_indices = @transform_0, window_bounds = array<i64: 8, 128>}, {pipeline_mode = #tpu.pipeline_mode<synchronous>, transform_indices = @transform_1, window_bounds = array<i64: 1, 128>}, {pipeline_mode = #tpu.pipeline_mode<synchronous>, transform_indices = @transform_2, window_bounds = array<i64: 1, 1>}, {pipeline_mode = #tpu.pipeline_mode<synchronous>, transform_indices = @transform_3, window_bounds = array<i64: 1, 1>}]} {
    %get3A = arith.constant 0 : index
    %get3A_0 = arith.constant 0 : index
    %get3A_1 = vector.load %arg1[%get3A, %get3A_0] : memref<8x128xf32, #tpu.memory_space<vmem>>, vector<1x128xf32>
    %get3A_2 = arith.constant 0 : index
    %get3A_3 = arith.constant 0 : index
    %get3A_4 = vector.load %arg2[%get3A_2, %get3A_3] : memref<1x128xf32, #tpu.memory_space<vmem>>, vector<1x128xf32>
    %mul3A = arith.mulf %get3A_1, %get3A_4 : vector<1x128xf32>
    %reduce_sum3A = arith.constant dense<0.000000e+00> : vector<1xf32>
    %reduce_sum3A_5 = vector.multi_reduction <add>, %mul3A, %reduce_sum3A [1] : vector<1x128xf32> to vector<1xf32>
    %broadcast_in_dim3A = vector.shape_cast %reduce_sum3A_5 : vector<1xf32> to vector<1x1xf32>
    %get3A_6 = arith.constant 0 : index
    %get3A_7 = arith.constant 0 : index
    %get3A_8 = vector.load %arg3[%get3A_6, %get3A_7] : memref<1x1xf32, #tpu.memory_space<vmem>>, vector<1x1xf32>
    %add3A = arith.addf %broadcast_in_dim3A, %get3A_8 : vector<1x1xf32>
    %swap3A = arith.constant 0 : index
    %swap3A_9 = arith.constant 0 : index
    %swap3A_10 = vector.load %arg4[%swap3A, %swap3A_9] : memref<1x1xf32, #tpu.memory_space<vmem>>, vector<1x1xf32>
    tpu.vector_store %arg4[%swap3A, %swap3A_9], %add3A {strides = array<i32>} : memref<1x1xf32, #tpu.memory_space<vmem>>, vector<1x1xf32>,
    return
  }
  func.func @transform_0(%arg0: i32) -> (i32, i32) {
    %c0_i32 = arith.constant 0 : i32
    %c0_i32_0 = arith.constant 0 : i32
    %c0_i32_1 = arith.constant 0 : i32
    return %c0_i32, %c0_i32_0 : i32, i32
  }
  func.func @transform_1(%arg0: i32) -> (i32, i32) {
    %c0_i32 = arith.constant 0 : i32
    %c0_i32_0 = arith.constant 0 : i32
    %c0_i32_1 = arith.constant 0 : i32
    return %c0_i32, %c0_i32_0 : i32, i32
  }
  func.func @transform_2(%arg0: i32) -> (i32, i32) {
    %c0_i32 = arith.constant 0 : i32
    %c0_i32_0 = arith.constant 0 : i32
    %c0_i32_1 = arith.constant 0 : i32
    return %c0_i32, %c0_i32_0 : i32, i32
  }
  func.func @transform_3(%arg0: i32) -> (i32, i32) {
    %c0_i32 = arith.constant 0 : i32
    %c0_i32_0 = arith.constant 0 : i32
    %c0_i32_1 = arith.constant 0 : i32
    return %c0_i32, %c0_i32_0 : i32, i32
  }
}

</mosaic_0001>

<sc_bundles>
// kernel: body.11.cloned.1.call-start
scs
__scs_entry_jumppad:
0x0: {  	(pc) =	sbr.rel $0x88, $3  }
0x1: {  	(tag) =	ssettag $0x0;
	lr =	simm.s32 $0x1  }
0x2: {  	[smem:$0x3F9A] =	sst lr;
	_ =	strace $0xD0000000  }
0x3: {  	_ = 	snop  }
0x4: {  	_ = 	snop  }
0x5: {  	_ = 	snop  }
0x6: {  	_ = 	snop  }
0x7: {  	_ = 	snop  }
__scs_overlays_trampoline_lowered:
0x8: {  	[smem:$0x3FA9] =	sst s0  }
0x9: {  	[smem:$0x3FAA] =	sst s1  }
0xa: {  	[smem:$0x3FAB] =	sst s2  }
0xb: {  	[smem:$0x3FAC] =	sst s3  }
0xc: {  	[smem:$0x3FAD] =	sst s4  }
0xd: {  	[smem:$0x3FAE] =	sst s5  }
0xe: {  	[smem:$0x3FAF] =	sst s6  }
0xf: {  	[smem:$0x3FB0] =	sst s7  }
0x10: {  	[smem:$0x3FB1] =	sst s8  }
0x11: {  	[smem:$0x3FB2] =	sst s9;
	s0 =	simm.s32 @!p0 $0x0  }
0x12: {  	s1 =	sld [smem:$0x3F98];
	s0 =	simm.s32 @p0 $0x1  }
0x13: {  	[smem:$0x3FB3] =	sst s0;
	s0 =	simm.s32 @!p1 $0x0  }
0x14: {  	s2 =	sld [smem:$0x3F97];
	s0 =	simm.s32 @p1 $0x1  }
0x15: {  	[smem:$0x3FB4] =	sst s0;
	s0 =	simm.s32 @!p2 $0x0  }
0x16: {  	s3 =	sld [smem:$0x3FDB];
	s0 =	simm.s32 @p2 $0x1  }
0x17: {  	s4 =	simm.s32 $0x1BF5;
	[smem:$0x3FB6] =	sst s0  }
0x18: {  	s0 =	sld [smem:$0x3F99];
	_ =	swait.ge [sflag:s4], $0x0  }
0x19: {  	s7 =	sld [smem:$0x3F9A]  }
0x1a: {  	s8 =	sadd.s32 $0xFFFFE003, lr  }
0x1b: {  	s9 =	sadd.s32 $0xFFFFFEF7, lr;
	s5 =	simm.s32 $0xFFFFFFFF;
	p2 =	slt.u32 s8, $0xFFFFF086  }
0x1c: {  	p1 =	slt.u32 s9, $0xF7A;
	s5 =	simm.s32 @!p2 $0x0  }
0x1d: {  	s5 =	simm.s32 @p1 $0x1;
	p0 =	seq.s32 s7, s2  }
0x1e: {  	s7 =	smul.u32 @!p0 $0xF7A, s2;
	p2 =	seq.s32 @!p0 s5, $0x0  }
0x1f: {  	s9 =	smul.u32 $0xF7A, s1;
	s8 =	simm.s32 @!p0 $0x1BF5;
	p2 =	por !p2, p0  }
0x20: {  	[sflag:s8] =	ssyncset.s32 @!p0 $0xFFFFF086;
	s6 =	sadd.s32 @!p0 s3, s7;
	s7 =	simm.s32 @!p0 $0x108  }
0x21: {  	s3 =	sadd.s32 s3, s9;
	s6 =	sadd.s32 @!p0 $0x88, s6;
	s7 =	simm.s32 @p2 $0x1082  }
0x22: {  	[simem:s7], [sflag:s8] =	dma.local @!p0 [hbm:s6], $0xF7A  }
0x23: {  	s9 =	sor.u32 $0xD0000000, s2;
	s6 =	simm.s32 $0x108;
	_ =	swait.ge @!p0 [sflag:s8], $0x0  }
0x24: {  	s3 =	sadd.s32 $0x88, s3;
	s6 =	simm.s32 @!p1 $0x1082;
	[sflag:s4] =	ssyncset.s32 $0xFFFFF086  }
0x25: {  	[simem:s6], [sflag:s4] =	dma.local [hbm:s3], $0xF7A  }
0x26: {  	[smem:$0x3F9A] =	sst s1;
	(tag) =	ssettag s2;
	_ =	strace s9  }
0x27: {  	s1 =	sld [smem:$0x3FAA]  }
0x28: {  	s2 =	sld [smem:$0x3FAB]  }
0x29: {  	s4 =	sld [smem:$0x3FAD]  }
0x2a: {  	p0 =	seq.s32 s5, $0x0;
	s5 =	sld [smem:$0x3FAE]  }
0x2b: {  	s6 =	sld [smem:$0x3FAF]  }
0x2c: {  	s7 =	sld [smem:$0x3FB0]  }
0x2d: {  	s3 =	simm.s32 $0x108;
	s8 =	sld [smem:$0x3FB1]  }
0x2e: {  	s3 =	simm.s32 @!p0 $0x1082;
	s9 =	sld [smem:$0x3FB2]  }
0x2f: {  	lr =	sadd.s32 s0, s3;
	s0 =	sld [smem:$0x3FA9]  }
0x30: {  	s3 =	sld [smem:$0x3FAC]  }
0x31: {  	[smem:$0x3FB5] =	sst s10  }
0x32: {  	s10 =	sld [smem:$0x3FB3];
	_ =	sdelay $0x3  }
0x33: {  	p0 =	seq.s32 s10, $0x1;
	s10 =	sld [smem:$0x3FB5];
	_ =	sdelay $0x3  }
0x34: {  	[smem:$0x3FB5] =	sst s10  }
0x35: {  	s10 =	sld [smem:$0x3FB4];
	_ =	sdelay $0x3  }
0x36: {  	p1 =	seq.s32 s10, $0x1;
	s10 =	sld [smem:$0x3FB5];
	_ =	sdelay $0x3  }
0x37: {  	[smem:$0x3FB5] =	sst s10  }
0x38: {  	s10 =	sld [smem:$0x3FB6]  }
0x39: {  	_ = 	snop;
	(pc) =	sbr.ind lr, $3  }
0x3a: {  	_ = 	snop  }
0x3b: {  	_ = 	snop  }
0x3c: {  	p2 =	seq.s32 s10, $0x1;
	s10 =	sld [smem:$0x3FB5]  }
0x3d: {  	_ =	shalt  }
0x3e: {  	_ =	shalt  }
0x3f: {  	_ =	shalt  }
0x40: {  	_ =	shalt  }
0x41: {  	_ =	shalt  }
0x42: {  	_ =	shalt  }
0x43: {  	_ =	shalt  }
0x44: {  	_ =	shalt  }
0x45: {  	_ =	shalt  }
0x46: {  	_ =	shalt  }
0x47: {  	_ =	shalt  }
0x48: {  	_ =	shalt  }
0x49: {  	_ =	shalt  }
0x4a: {  	_ =	shalt  }
0x4b: {  	_ =	shalt  }
0x4c: {  	_ =	shalt  }
0x4d: {  	_ =	shalt  }
0x4e: {  	_ =	shalt  }
0x4f: {  	_ =	shalt  }
0x50: {  	_ =	shalt  }
0x51: {  	_ =	shalt  }
0x52: {  	_ =	shalt  }
0x53: {  	_ =	shalt  }
0x54: {  	_ =	shalt  }
0x55: {  	_ =	shalt  }
0x56: {  	_ =	shalt  }
0x57: {  	_ =	shalt  }
0x58: {  	_ =	shalt  }
0x59: {  	_ =	shalt  }
0x5a: {  	_ =	shalt  }
0x5b: {  	_ =	shalt  }
0x5c: {  	_ =	shalt  }
0x5d: {  	_ =	shalt  }
0x5e: {  	_ =	shalt  }
0x5f: {  	_ =	shalt  }
0x60: {  	_ =	shalt  }
0x61: {  	_ =	shalt  }
0x62: {  	_ =	shalt  }
0x63: {  	_ =	shalt  }
0x64: {  	_ =	shalt  }
0x65: {  	_ =	shalt  }
0x66: {  	_ =	shalt  }
0x67: {  	_ =	shalt  }
0x68: {  	_ =	shalt  }
0x69: {  	_ =	shalt  }
0x6a: {  	_ =	shalt  }
0x6b: {  	_ =	shalt  }
0x6c: {  	_ =	shalt  }
0x6d: {  	_ =	shalt  }
0x6e: {  	_ =	shalt  }
0x6f: {  	_ =	shalt  }
0x70: {  	_ =	shalt  }
0x71: {  	_ =	shalt  }
0x72: {  	_ =	shalt  }
0x73: {  	_ =	shalt  }
0x74: {  	_ =	shalt  }
0x75: {  	_ =	shalt  }
0x76: {  	_ =	shalt  }
0x77: {  	_ =	shalt  }
0x78: {  	_ =	shalt  }
0x79: {  	_ =	shalt  }
0x7a: {  	_ =	shalt  }
0x7b: {  	_ =	shalt  }
0x7c: {  	_ =	shalt  }
0x7d: {  	_ =	shalt  }
0x7e: {  	_ =	shalt  }
0x7f: {  	_ =	shalt  }
0x80: {  	_ =	shalt  }
0x81: {  	_ =	shalt  }
0x82: {  	_ =	shalt  }
0x83: {  	_ =	shalt  }
0x84: {  	_ =	shalt  }
0x85: {  	_ =	shalt  }
0x86: {  	_ =	shalt  }
0x87: {  	_ =	shalt  }
.Lfunc_end0:
.L_simem_size_0:
called_computation_lowered:
.L_overlay_start_0:
0x88: {  	s2 =	sld [smem:$0x3FD9]  }
0x89: {  	s3 =	sld [smem:$0x3FFE];
	_ =	sdelay $0x1  }
0x8a: {  	s1 =	srdreg.scid  }
0x8b: {  	s0 =	sand.u32 $0x1, s1  }
0x8c: {  	s16 =	sshll.u32 s0, $0xA;
	s2 =	sadd.s32 s3, s2  }
0x8d: {  	s2 =	sadd.s32 s2, s16  }
0x8e: {  	[smem:$0x3FC1] =	sst s2  }
0x8f: {  	_ = 	snop  }
0x90: {  	(tm) =	ssettm $0x1  }
0x91: {  	s17 =	sld [smem:$0x3FFB];
	_ =	sdelay $0x3  }
0x92: {  	_ =	strace s17  }
0x93: {  	s2 =	sld [smem:$0x3FFC];
	_ =	sdelay $0x3  }
0x94: {  	_ =	strace s2  }
0x95: {  	s2 =	sld [smem:$0x3FFD];
	_ =	sdelay $0x3  }
0x96: {  	_ =	strace s2  }
0x97: {  	_ =	strace $0x8FFFFFFF  }
0x98: {  	s18 =	sld [smem:$0x3FDB];
	_ =	sdelay $0x1  }
0x99: {  	s19 =	simm.s32 $_scs_section_size  }
0x9a: {  	s4 =	simm.s32 $_size__tile_overlayer_lowered;
	s5 =	simm.s32 $_tile_overlayer_lowered  }
0x9b: {  	s22 =	simm.s32 $0x1BFF;
	s21 =	sshll.u32 s5, $0x1;
	s2 =	sadd.s32 s19, s18  }
0x9c: {  	s6 =	simm.s32 $0x0;
	s20 =	sshll.u32 s4, $0x1;
	s4 =	sadd.s32 s21, s2  }
0x9d: {  	[timem:s6], [sflag:s22] =	dma.local [hbm:s4], s20  }
0x9e: {  	_ =	swait.ge [sflag:s22], s20  }
0x9f: {  	s3 =	ssub.s32 $0x0, s20;
	[sflag:s22] =	ssyncset.done $0x0  }
0xa0: {  	[sflag:s22] =	ssyncadd.s32 s3;
	_ =	sdelay $0x1  }
0xa1: {  	s23 =	simm.s32 $0x1B8B  }
0xa2: {  	_ =	swait.ge [sflag:s23], $0x1  }
0xa3: {  	[sflag:s23] =	ssyncset.done $0x0  }
0xa4: {  	s25 =	simm.s32 $0x1B8E;
	s24 =	sld [smem:$0x3FFE];
	[sflag:s23] =	ssyncadd.s32 $0xFFFFFFFF  }
0xa5: {  	s26 =	simm.s32 $execute0_lowered;
	[smem:$0x3FD2] =	sst s25  }
0xa6: {  	s4 =	sshll.u32 s26, $0x1;
	_ =	strace $0x80000049;
	[dreg:$0x1] =	wrdreg $0xFFFFFFFF  }
0xa7: {  	s28 =	simm.s32 $_size_execute0_lowered;
	s2 =	sadd.s32 s2, s4;
	[dreg:$0x0] =	wrdreg $0x0  }
0xa8: {  	s4 =	sshll.u32 s28, $0x1;
	[dreg:$0x2] =	wrdreg s2  }
0xa9: {  	[dreg:$0x3] =	wrdreg s4  }
0xaa: {  	[dreg:$0x4] =	wrdreg $0xC0  }
0xab: {  	_ =	task [dreg:s6], $0x5FFFF  }
0xac: {  	[dreg:$0x1] =	wrdreg $0xFFFFFFFF  }
0xad: {  	[dreg:$0x0] =	wrdreg $0x60  }
0xae: {  	[dreg:$0x2] =	wrdreg s24  }
0xaf: {  	[dreg:$0x3] =	wrdreg $0x90000  }
0xb0: {  	[dreg:$0x4] =	wrdreg $0x9  }
0xb1: {  	_ =	task.clear_ibuf [dreg:s6], $0x5FFFF;
	_ =	strace $0x90000049  }
0xb2: {  	s29 =	simm.s32 $0x9;
	_ =	strace $0x8000004B  }
0xb3: {  	_ =	swait.ge [sflag:s29], $0x1  }
0xb4: {  	[sflag:s29] =	ssyncadd.s32 $0xFFFFFFFF  }
0xb5: {  	_ =	strace $0x9000004B  }
0xb6: {  	_ =	sfence  }
0xb7: {  	s30 =	sld [smem:$0x0];
	_ =	sdelay $0x2  }
0xb8: {  	s31 =	sshll.u32 s1, $0xD;
	s1 =	sshrl.u32 s1, $0x2  }
0xb9: {  	s3 =	sand.u32 $0x4000, s31;
	s1 =	sadd.s32 s1, s30  }
0xba: {  	s0 =	sor.u32 s3, s0;
	s1 =	sshll.u32 s1, $0x11  }
0xbb: {  	s0 =	sor.u32 s1, s0  }
0xbc: {  	s0 =	sadd.s32 $0x8F2B, s0  }
0xbd: {  	[sflag:s0] =	ssyncadd.remote.s32 $0x1  }
0xbe: {  	_ =	sfence.sel $0xFFFF  }
0xbf: {  	[dreg:$0x0] =	wrdreg $0xFFFFFFFF;
	(pc) =	sbr.abs _section_cstart, $3  }
0xc0: {  	[dreg:$0x1] =	wrdreg $0xFFFFFFFF  }
0xc1: {  	_ =	task.clear_ibuf [dreg:s6], $0x2FFFF;
	_ =	strace $0x9FFFFFFF  }
0xc2: {  	(tm) =	ssettm $0x7FFFFFFF  }
0xc3: {  	_ =	shalt  }
tec
execute0_lowered:
.L_overlay_start_1:
0x0: {  	(tag) =	ssettag $0x1  }
0x1: {  	s1 =	srdreg.scid  }
0x2: {  	s0 =	stileid.u32;
	s5 =	rddreg [dreg:$0x0]  }
0x3: {  	s2 =	rddreg [dreg:$0x1];
	s3 =	simm.s32 $0x0;
	s13 =	simm.s32 $0x5000  }
0x4: {  	s14 =	simm.s32 $0x1;
	s15 =	simm.s32 $0x2800;
	s16 =	simm.s32 $0x80  }
0x5: {  	s6 =	sand.u32 $0x1, s1;
	s1 =	rddreg [dreg:$0x2];
	s8 =	smul.u32 $0x4F000, s0  }
0x6: {  	s29 =	sshll.u32 s0, $0x1;
	[smem:$0x7FF] =	sst s3;
	s18 =	smul.u32 $0x2780, s0  }
0x7: {  	s19 =	sshll.u32 s0, $0x6;
	s4 =	sor.u32 s6, s29;
	s9 =	smul.u32 $0x27800, s6  }
0x8: {  	_ =	strace $0x8000004A;
	s6 =	ssub.s32 $0x2, s6;
	s7 =	smul.u32 $0x500, s4  }
0x9: {  	s4 =	sadd.s32 $0x20A00, s5;
	s30 =	sshrl.u32 s8, $0x2;
	s31 =	sshrl.u32 s6, $0x1  }
0xa: {  	s9 =	sadd.s32 s9, s5;
	s11 =	ssub.s32 s6, s31;
	s10 =	sadd.s32 s7, s5  }
0xb: {  	s5 =	sadd.s32 s30, s2;
	s17 =	sadd.s32 $0x47C00, s9;
	s9 =	smax.u32 s11, $0x1  }
0xc: {  	s6 =	sadd.s32 $0x10000, s5;
	s7 =	sadd.s32 $0x16A00, s10;
	s8 =	sadd.s32 $0x2A00, s10  }
0xd: {  	s10 =	sadd.s32 $0x4000, s5;
	s11 =	sadd.s32 $0x8000, s5;
	s12 =	sadd.s32 $0xC000, s5  }
0xe: {  	v0 =	vimm.f32 $0.0e+00;
	s17 =	sadd.s32 s18, s17;
	s18 =	sor.u32 $0x1C01, s19;
	s19 =	sshrl.u32 s5, $0x3  }
.LBB2_1:
0xf: {  	s20 =	simm.s32 $0x0;
	s21 =	simm.s32 $0x200  }
.LBB2_2:
0x10: {  	p0 =	sne.s32 s21, $0xFE00;
	[tilespmem:s20+$0x5070] =	vst v0  }
0x11: {  	[tilespmem:s20+$0x5000] =	vst v0  }
0x12: {  	[tilespmem:s20+$0x5010] =	vst v0  }
.Ltmp0:
0x13: {  	[tilespmem:s20+$0x5020] =	vst v0;
	(pc) =	sbr.rel @p0 .LBB2_2-.Ltmp0, $4  }
0x14: {  	[tilespmem:s20+$0x5030] =	vst v0  }
0x15: {  	[tilespmem:s20+$0x5040] =	vst v0  }
0x16: {  	[tilespmem:s20+$0x5050] =	vst v0  }
0x17: {  	[tilespmem:s20+$0x5060] =	vst v0;
	s20 =	sshra.s32 s21, $0x2;
	s21 =	sadd.s32 $0x200, s21  }
0x18: {  	[tilespmem:s20+$0x5070] =	vst v0  }
0x19: {  	[tilespmem:s20+$0x5000] =	vst v0  }
0x1a: {  	[tilespmem:s20+$0x5010] =	vst v0  }
0x1b: {  	[tilespmem:s20+$0x5020] =	vst v0  }
0x1c: {  	[tilespmem:s20+$0x5030] =	vst v0  }
0x1d: {  	[tilespmem:s20+$0x5040] =	vst v0  }
0x1e: {  	[tilespmem:s20+$0x5050] =	vst v0  }
0x1f: {  	[tilespmem:s20+$0x5060] =	vst v0  }
0x20: {  	[spmem:s5] =	stream.linear.scatter [tilespmem:s13], [sflag:$0x1], $0x4000, $0x38;
	[tilespmem:$0x1CC00] =	vst v63  }
0x21: {  	_ =	swait.ge [sflag:s14], $0x4000  }
0x22: {  	[sflag:s14] =	ssyncset.done $0x0  }
0x23: {  	[sflag:s14] =	ssyncadd.s32 $0xFFFFC000  }
0x24: {  	[spmem:s10] =	stream.linear.scatter [tilespmem:s13], [sflag:$0x1], $0x4000, $0x38;
	[tilespmem:$0x1CC00] =	vst v63  }
0x25: {  	_ =	swait.ge [sflag:s14], $0x4000  }
0x26: {  	[sflag:s14] =	ssyncset.done $0x0  }
0x27: {  	[sflag:s14] =	ssyncadd.s32 $0xFFFFC000  }
0x28: {  	[spmem:s11] =	stream.linear.scatter [tilespmem:s13], [sflag:$0x1], $0x4000, $0x38;
	[tilespmem:$0x1CC00] =	vst v63  }
0x29: {  	_ =	swait.ge [sflag:s14], $0x4000  }
0x2a: {  	[sflag:s14] =	ssyncset.done $0x0  }
0x2b: {  	[sflag:s14] =	ssyncadd.s32 $0xFFFFC000  }
0x2c: {  	[spmem:s12] =	stream.linear.scatter [tilespmem:s13], [sflag:$0x1], $0x4000, $0x38;
	[tilespmem:$0x1CC00] =	vst v63  }
0x2d: {  	_ =	swait.ge [sflag:s14], $0x4000  }
0x2e: {  	[sflag:s14] =	ssyncset.done $0x0  }
0x2f: {  	[sflag:s14] =	ssyncadd.s32 $0xFFFFC000  }
0x30: {  	[spmem:s6] =	stream.linear.scatter [tilespmem:s13], [sflag:$0x1], $0x3C00, $0x38;
	[tilespmem:$0x1CC00] =	vst v63  }
0x31: {  	_ =	swait.ge [sflag:s14], $0x3C00  }
0x32: {  	[sflag:s14] =	ssyncset.done $0x0  }
0x33: {  	s29 =	simm.s32 $0x0;
	[sflag:s14] =	ssyncadd.s32 $0xFFFFC400  }
0x34: {  	[tilespmem:s29], [sflag:$0x1] =	stream.linear.gather [hbm4b:s7+s29], $0x2800, $0x38;
	[tilespmem:$0x1CC00] =	vst v63  }
0x35: {  	_ =	swait.ge [sflag:s14], $0x2800  }
0x36: {  	[sflag:s14] =	ssyncset.done $0x0  }
0x37: {  	[sflag:s14] =	ssyncadd.s32 $0xFFFFD800  }
0x38: {  	[tilespmem:s15], [sflag:$0x1] =	stream.linear.gather [hbm4b:s8+s29], $0x2800, $0x38;
	[tilespmem:$0x1CC00] =	vst v63  }
0x39: {  	_ =	swait.ge [sflag:s14], $0x2800  }
0x3a: {  	[sflag:s14] =	ssyncset.done $0x0  }
0x3b: {  	[sflag:s14] =	ssyncadd.s32 $0xFFFFD800  }
0x3c: {  	s30 =	simm.s32 $0x0;
	[bflag:$0x0] =	sbarrier.arrive $0xFFFF  }
0x3d: {  	[tilespmem:s13], [sflag:$0x1] =	stream.indirect.gather [hbm4b:s4+s16], $0x80, s30, s16, $0xb8;
	[tilespmem:$0x1CC00] =	vst v63  }
0x3e: {  	_ =	swait.ge [sflag:s14], $0x4000  }
0x3f: {  	[sflag:s14] =	ssyncset.done $0x0  }
0x40: {  	s31 =	simm.s32 $0x2800;
	[sflag:s14] =	ssyncadd.s32 $0xFFFFC000  }
0x41: {  	[spmem:s2] =	stream.indirect.scatter.add.f32 [tilespmem:s13], [sflag:$0x1], $0x80, s31, s16, $0xb8;
	[tilespmem:$0x1CC00] =	vst v63  }
0x42: {  	_ =	swait.ge [sflag:s14], $0x4000  }
0x43: {  	s20 =	simm.s32 $0x200;
	s21 =	simm.s32 $0x400;
	[sflag:s14] =	ssyncset.done $0x0  }
.LBB2_4:
0x44: {  	s22 =	sshra.s32 s20, $0x2  }
0x45: {  	[sflag:s14] =	ssyncadd.s32 $0xFFFFC000;
	s20 =	smov.u32 s21;
	s23 =	sadd.s32 $0x200, s21  }
0x46: {  	[tilespmem:s13], [sflag:$0x1] =	stream.indirect.gather [hbm4b:s4+s16], $0x80, s22, s16, $0xb8;
	[tilespmem:$0x1CC00] =	vst v63  }
0x47: {  	p0 =	sne.s32 s21, $0x9E00;
	_ =	swait.ge [sflag:s14], $0x4000  }
.Ltmp1:
0x48: {  	[sflag:s14] =	ssyncset.done $0x0;
	(pc) =	sbr.rel @p0 .LBB2_4-.Ltmp1, $4  }
0x49: {  	s21 =	sadd.s32 $0x2800, s22;
	[sflag:s14] =	ssyncadd.s32 $0xFFFFC000  }
0x4a: {  	[spmem:s2] =	stream.indirect.scatter.add.f32 [tilespmem:s13], [sflag:$0x1], $0x80, s21, s16, $0xb8;
	[tilespmem:$0x1CC00] =	vst v63  }
0x4b: {  	_ =	swait.ge [sflag:s14], $0x4000  }
0x4c: {  	s21 =	smov.u32 s23;
	[sflag:s14] =	ssyncset.done $0x0  }
0x4d: {  	s20 =	sshra.s32 s20, $0x2;
	[sflag:s14] =	ssyncadd.s32 $0xFFFFC000  }
0x4e: {  	[tilespmem:s13], [sflag:$0x1] =	stream.indirect.gather [hbm4b:s4+s16], $0x80, s20, s16, $0xb8;
	[tilespmem:$0x1CC00] =	vst v63  }
0x4f: {  	_ =	swait.ge [sflag:s14], $0x4000  }
0x50: {  	[sflag:s14] =	ssyncset.done $0x0  }
0x51: {  	s20 =	sadd.s32 $0x2800, s20;
	[sflag:s14] =	ssyncadd.s32 $0xFFFFC000  }
0x52: {  	[spmem:s2] =	stream.indirect.scatter.add.f32 [tilespmem:s13], [sflag:$0x1], $0x80, s20, s16, $0xb8;
	[tilespmem:$0x1CC00] =	vst v63  }
0x53: {  	_ =	swait.ge [sflag:s14], $0x4000  }
0x54: {  	s3 =	sadd.s32 $0x1, s3;
	[sflag:s14] =	ssyncset.done $0x0  }
0x55: {  	p0 =	sne.s32 s3, s9;
	[sflag:s14] =	ssyncadd.s32 $0xFFFFC000  }
.Ltmp2:
0x56: {  	[bflag:$0x0] =	sbarrier.arrive $0xFFFF;
	(pc) =	sbr.rel @p0 .LBB2_1-.Ltmp2, $4  }
0x57: {  	[hbm:s17], [sflag:s18] =	dma.local [spmem:s19], $0x2780  }
0x58: {  	_ =	swait.ge [sflag:s14], $0x2780  }
0x59: {  	[sflag:s14] =	ssyncset.done $0x0  }
0x5a: {  	[sflag:s14] =	ssyncadd.s32 $0xFFFFD880  }
0x5b: {  	_ =	sfence.sel $0x180000  }
0x5c: {  	[bflag:$0x0] =	sbarrier.arrive $0xFFFF  }
0x5d: {  	p0 =	sne.s32 s0, $0x0;
	_ =	strace $0x9000004A  }
0x5e: {  	s0 =	sadd.s32 @!p0 $0x100000, s1;
	[bflag:$0x2] =	sbarrier.arrive $0xFFFF  }
0x5f: {  	[sflag:s0] =	ssyncadd.tile.s32 @!p0 $0x1;
	_ =	shalt  }
.Lfunc_end2:
_tile_overlayer_lowered:
.L_overlay_start_2:
0x60: {  	(tag) =	ssettag $0x2  }
0x61: {  	s0 =	rddreg [dreg:$0x0];
	s2 =	stileid.u32  }
0x62: {  	s1 =	rddreg [dreg:$0x1];
	p0 =	sne.s32 s2, $0x0  }
0x63: {  	s3 =	rddreg [dreg:$0x2];
	[bflag:$0x3] =	sbarrier.arrive $0xFFFF;
	s2 =	simm.s32 @!p0 $0x1C01  }
0x64: {  	[timem:s3], [sflag:s2] =	dma.local @!p0 [hbm:s0], s1  }
0x65: {  	s0 =	simm.s32 @!p0 $0x1  }
0x66: {  	_ =	swait.ge @!p0 [sflag:s0], s1  }
0x67: {  	s1 =	ssub.s32 @!p0 $0x0, s1;
	[sflag:s0] =	ssyncset.done @!p0 $0x0  }
0x68: {  	[sflag:s0] =	ssyncadd.s32 @!p0 s1  }
0x69: {  	[bflag:$0x3] =	sbarrier.arrive $0xFFFF  }
0x6a: {  	_ =	shalt  }

// kernel: kernel.5.cloned.1.call-start
scs
__scs_entry_jumppad:
0x0: {  	(pc) =	sbr.rel $0x88, $3  }
0x1: {  	(tag) =	ssettag $0x0;
	lr =	simm.s32 $0x1  }
0x2: {  	[smem:$0x3F9A] =	sst lr;
	_ =	strace $0xD0000000  }
0x3: {  	_ = 	snop  }
0x4: {  	_ = 	snop  }
0x5: {  	_ = 	snop  }
0x6: {  	_ = 	snop  }
0x7: {  	_ = 	snop  }
__scs_overlays_trampoline_lowered:
0x8: {  	[smem:$0x3FA9] =	sst s0  }
0x9: {  	[smem:$0x3FAA] =	sst s1  }
0xa: {  	[smem:$0x3FAB] =	sst s2  }
0xb: {  	[smem:$0x3FAC] =	sst s3  }
0xc: {  	[smem:$0x3FAD] =	sst s4  }
0xd: {  	[smem:$0x3FAE] =	sst s5  }
0xe: {  	[smem:$0x3FAF] =	sst s6  }
0xf: {  	[smem:$0x3FB0] =	sst s7  }
0x10: {  	[smem:$0x3FB1] =	sst s8  }
0x11: {  	[smem:$0x3FB2] =	sst s9;
	s0 =	simm.s32 @!p0 $0x0  }
0x12: {  	s1 =	sld [smem:$0x3F98];
	s0 =	simm.s32 @p0 $0x1  }
0x13: {  	[smem:$0x3FB3] =	sst s0;
	s0 =	simm.s32 @!p1 $0x0  }
0x14: {  	s2 =	sld [smem:$0x3F97];
	s0 =	simm.s32 @p1 $0x1  }
0x15: {  	[smem:$0x3FB4] =	sst s0;
	s0 =	simm.s32 @!p2 $0x0  }
0x16: {  	s3 =	sld [smem:$0x3FDB];
	s0 =	simm.s32 @p2 $0x1  }
0x17: {  	s4 =	simm.s32 $0x1BF5;
	[smem:$0x3FB6] =	sst s0  }
0x18: {  	s0 =	sld [smem:$0x3F99];
	_ =	swait.ge [sflag:s4], $0x0  }
0x19: {  	s7 =	sld [smem:$0x3F9A]  }
0x1a: {  	s8 =	sadd.s32 $0xFFFFE003, lr  }
0x1b: {  	s9 =	sadd.s32 $0xFFFFFEF7, lr;
	s5 =	simm.s32 $0xFFFFFFFF;
	p2 =	slt.u32 s8, $0xFFFFF086  }
0x1c: {  	p1 =	slt.u32 s9, $0xF7A;
	s5 =	simm.s32 @!p2 $0x0  }
0x1d: {  	s5 =	simm.s32 @p1 $0x1;
	p0 =	seq.s32 s7, s2  }
0x1e: {  	s7 =	smul.u32 @!p0 $0xF7A, s2;
	p2 =	seq.s32 @!p0 s5, $0x0  }
0x1f: {  	s9 =	smul.u32 $0xF7A, s1;
	s8 =	simm.s32 @!p0 $0x1BF5;
	p2 =	por !p2, p0  }
0x20: {  	[sflag:s8] =	ssyncset.s32 @!p0 $0xFFFFF086;
	s6 =	sadd.s32 @!p0 s3, s7;
	s7 =	simm.s32 @!p0 $0x108  }
0x21: {  	s3 =	sadd.s32 s3, s9;
	s6 =	sadd.s32 @!p0 $0x88, s6;
	s7 =	simm.s32 @p2 $0x1082  }
0x22: {  	[simem:s7], [sflag:s8] =	dma.local @!p0 [hbm:s6], $0xF7A  }
0x23: {  	s9 =	sor.u32 $0xD0000000, s2;
	s6 =	simm.s32 $0x108;
	_ =	swait.ge @!p0 [sflag:s8], $0x0  }
0x24: {  	s3 =	sadd.s32 $0x88, s3;
	s6 =	simm.s32 @!p1 $0x1082;
	[sflag:s4] =	ssyncset.s32 $0xFFFFF086  }
0x25: {  	[simem:s6], [sflag:s4] =	dma.local [hbm:s3], $0xF7A  }
0x26: {  	[smem:$0x3F9A] =	sst s1;
	(tag) =	ssettag s2;
	_ =	strace s9  }
0x27: {  	s1 =	sld [smem:$0x3FAA]  }
0x28: {  	s2 =	sld [smem:$0x3FAB]  }
0x29: {  	s4 =	sld [smem:$0x3FAD]  }
0x2a: {  	p0 =	seq.s32 s5, $0x0;
	s5 =	sld [smem:$0x3FAE]  }
0x2b: {  	s6 =	sld [smem:$0x3FAF]  }
0x2c: {  	s7 =	sld [smem:$0x3FB0]  }
0x2d: {  	s3 =	simm.s32 $0x108;
	s8 =	sld [smem:$0x3FB1]  }
0x2e: {  	s3 =	simm.s32 @!p0 $0x1082;
	s9 =	sld [smem:$0x3FB2]  }
0x2f: {  	lr =	sadd.s32 s0, s3;
	s0 =	sld [smem:$0x3FA9]  }
0x30: {  	s3 =	sld [smem:$0x3FAC]  }
0x31: {  	[smem:$0x3FB5] =	sst s10  }
0x32: {  	s10 =	sld [smem:$0x3FB3];
	_ =	sdelay $0x3  }
0x33: {  	p0 =	seq.s32 s10, $0x1;
	s10 =	sld [smem:$0x3FB5];
	_ =	sdelay $0x3  }
0x34: {  	[smem:$0x3FB5] =	sst s10  }
0x35: {  	s10 =	sld [smem:$0x3FB4];
	_ =	sdelay $0x3  }
0x36: {  	p1 =	seq.s32 s10, $0x1;
	s10 =	sld [smem:$0x3FB5];
	_ =	sdelay $0x3  }
0x37: {  	[smem:$0x3FB5] =	sst s10  }
0x38: {  	s10 =	sld [smem:$0x3FB6]  }
0x39: {  	_ = 	snop;
	(pc) =	sbr.ind lr, $3  }
0x3a: {  	_ = 	snop  }
0x3b: {  	_ = 	snop  }
0x3c: {  	p2 =	seq.s32 s10, $0x1;
	s10 =	sld [smem:$0x3FB5]  }
0x3d: {  	_ =	shalt  }
0x3e: {  	_ =	shalt  }
0x3f: {  	_ =	shalt  }
0x40: {  	_ =	shalt  }
0x41: {  	_ =	shalt  }
0x42: {  	_ =	shalt  }
0x43: {  	_ =	shalt  }
0x44: {  	_ =	shalt  }
0x45: {  	_ =	shalt  }
0x46: {  	_ =	shalt  }
0x47: {  	_ =	shalt  }
0x48: {  	_ =	shalt  }
0x49: {  	_ =	shalt  }
0x4a: {  	_ =	shalt  }
0x4b: {  	_ =	shalt  }
0x4c: {  	_ =	shalt  }
0x4d: {  	_ =	shalt  }
0x4e: {  	_ =	shalt  }
0x4f: {  	_ =	shalt  }
0x50: {  	_ =	shalt  }
0x51: {  	_ =	shalt  }
0x52: {  	_ =	shalt  }
0x53: {  	_ =	shalt  }
0x54: {  	_ =	shalt  }
0x55: {  	_ =	shalt  }
0x56: {  	_ =	shalt  }
0x57: {  	_ =	shalt  }
0x58: {  	_ =	shalt  }
0x59: {  	_ =	shalt  }
0x5a: {  	_ =	shalt  }
0x5b: {  	_ =	shalt  }
0x5c: {  	_ =	shalt  }
0x5d: {  	_ =	shalt  }
0x5e: {  	_ =	shalt  }
0x5f: {  	_ =	shalt  }
0x60: {  	_ =	shalt  }
0x61: {  	_ =	shalt  }
0x62: {  	_ =	shalt  }
0x63: {  	_ =	shalt  }
0x64: {  	_ =	shalt  }
0x65: {  	_ =	shalt  }
0x66: {  	_ =	shalt  }
0x67: {  	_ =	shalt  }
0x68: {  	_ =	shalt  }
0x69: {  	_ =	shalt  }
0x6a: {  	_ =	shalt  }
0x6b: {  	_ =	shalt  }
0x6c: {  	_ =	shalt  }
0x6d: {  	_ =	shalt  }
0x6e: {  	_ =	shalt  }
0x6f: {  	_ =	shalt  }
0x70: {  	_ =	shalt  }
0x71: {  	_ =	shalt  }
0x72: {  	_ =	shalt  }
0x73: {  	_ =	shalt  }
0x74: {  	_ =	shalt  }
0x75: {  	_ =	shalt  }
0x76: {  	_ =	shalt  }
0x77: {  	_ =	shalt  }
0x78: {  	_ =	shalt  }
0x79: {  	_ =	shalt  }
0x7a: {  	_ =	shalt  }
0x7b: {  	_ =	shalt  }
0x7c: {  	_ =	shalt  }
0x7d: {  	_ =	shalt  }
0x7e: {  	_ =	shalt  }
0x7f: {  	_ =	shalt  }
0x80: {  	_ =	shalt  }
0x81: {  	_ =	shalt  }
0x82: {  	_ =	shalt  }
0x83: {  	_ =	shalt  }
0x84: {  	_ =	shalt  }
0x85: {  	_ =	shalt  }
0x86: {  	_ =	shalt  }
0x87: {  	_ =	shalt  }
.Lfunc_end0:
.L_simem_size_0:
called_computation.1_lowered:
.L_overlay_start_0:
0x88: {  	s2 =	sld [smem:$0x3FD9]  }
0x89: {  	s3 =	sld [smem:$0x3FFE];
	_ =	sdelay $0x1  }
0x8a: {  	s1 =	srdreg.scid  }
0x8b: {  	s0 =	sand.u32 $0x1, s1  }
0x8c: {  	s16 =	sshll.u32 s0, $0xA;
	s2 =	sadd.s32 s3, s2  }
0x8d: {  	s2 =	sadd.s32 s2, s16  }
0x8e: {  	[smem:$0x3FC1] =	sst s2  }
0x8f: {  	_ = 	snop  }
0x90: {  	(tm) =	ssettm $0x1  }
0x91: {  	s17 =	sld [smem:$0x3FFB];
	_ =	sdelay $0x3  }
0x92: {  	_ =	strace s17  }
0x93: {  	s2 =	sld [smem:$0x3FFC];
	_ =	sdelay $0x3  }
0x94: {  	_ =	strace s2  }
0x95: {  	s2 =	sld [smem:$0x3FFD];
	_ =	sdelay $0x3  }
0x96: {  	_ =	strace s2  }
0x97: {  	_ =	strace $0x8FFFFFFF  }
0x98: {  	s18 =	sld [smem:$0x3FDB];
	_ =	sdelay $0x1  }
0x99: {  	s19 =	simm.s32 $_scs_section_size  }
0x9a: {  	s4 =	simm.s32 $_size__tile_overlayer_lowered;
	s5 =	simm.s32 $_tile_overlayer_lowered  }
0x9b: {  	s22 =	simm.s32 $0x1BFF;
	s21 =	sshll.u32 s5, $0x1;
	s2 =	sadd.s32 s19, s18  }
0x9c: {  	s6 =	simm.s32 $0x0;
	s20 =	sshll.u32 s4, $0x1;
	s4 =	sadd.s32 s21, s2  }
0x9d: {  	[timem:s6], [sflag:s22] =	dma.local [hbm:s4], s20  }
0x9e: {  	_ =	swait.ge [sflag:s22], s20  }
0x9f: {  	s3 =	ssub.s32 $0x0, s20;
	[sflag:s22] =	ssyncset.done $0x0  }
0xa0: {  	[sflag:s22] =	ssyncadd.s32 s3;
	_ =	sdelay $0x1  }
0xa1: {  	s23 =	simm.s32 $0x1B8B  }
0xa2: {  	_ =	swait.ge [sflag:s23], $0x1  }
0xa3: {  	[sflag:s23] =	ssyncset.done $0x0  }
0xa4: {  	s25 =	simm.s32 $0x1B8E;
	s24 =	sld [smem:$0x3FFE];
	[sflag:s23] =	ssyncadd.s32 $0xFFFFFFFF  }
0xa5: {  	s26 =	simm.s32 $execute0_lowered;
	[smem:$0x3FD2] =	sst s25  }
0xa6: {  	s4 =	sshll.u32 s26, $0x1;
	_ =	strace $0x80000046;
	[dreg:$0x1] =	wrdreg $0xFFFFFFFF  }
0xa7: {  	s28 =	simm.s32 $_size_execute0_lowered;
	s2 =	sadd.s32 s2, s4;
	[dreg:$0x0] =	wrdreg $0x0  }
0xa8: {  	s4 =	sshll.u32 s28, $0x1;
	[dreg:$0x2] =	wrdreg s2  }
0xa9: {  	[dreg:$0x3] =	wrdreg s4  }
0xaa: {  	[dreg:$0x4] =	wrdreg $0xC0  }
0xab: {  	_ =	task [dreg:s6], $0x5FFFF  }
0xac: {  	[dreg:$0x1] =	wrdreg $0xFFFFFFFF  }
0xad: {  	[dreg:$0x0] =	wrdreg $0x60  }
0xae: {  	[dreg:$0x2] =	wrdreg s24  }
0xaf: {  	[dreg:$0x3] =	wrdreg $0x9  }
0xb0: {  	_ =	task.clear_ibuf [dreg:s6], $0x4FFFF;
	_ =	strace $0x90000046  }
0xb1: {  	s29 =	simm.s32 $0x9;
	_ =	strace $0x80000048  }
0xb2: {  	_ =	swait.ge [sflag:s29], $0x1  }
0xb3: {  	[sflag:s29] =	ssyncadd.s32 $0xFFFFFFFF  }
0xb4: {  	_ =	strace $0x90000048  }
0xb5: {  	_ =	sfence  }
0xb6: {  	s30 =	sld [smem:$0x0];
	_ =	sdelay $0x2  }
0xb7: {  	s31 =	sshll.u32 s1, $0xD;
	s1 =	sshrl.u32 s1, $0x2  }
0xb8: {  	s3 =	sand.u32 $0x4000, s31;
	s1 =	sadd.s32 s1, s30  }
0xb9: {  	s0 =	sor.u32 s3, s0;
	s1 =	sshll.u32 s1, $0x11  }
0xba: {  	s0 =	sor.u32 s1, s0  }
0xbb: {  	s0 =	sadd.s32 $0x8F2B, s0  }
0xbc: {  	[sflag:s0] =	ssyncadd.remote.s32 $0x1  }
0xbd: {  	_ =	sfence.sel $0xFFFF  }
0xbe: {  	[dreg:$0x0] =	wrdreg $0xFFFFFFFF;
	(pc) =	sbr.abs _section_cstart, $3  }
0xbf: {  	[dreg:$0x1] =	wrdreg $0xFFFFFFFF  }
0xc0: {  	_ =	task.clear_ibuf [dreg:s6], $0x2FFFF;
	_ =	strace $0x9FFFFFFF  }
0xc1: {  	(tm) =	ssettm $0x7FFFFFFF  }
tec
execute0_lowered:
.L_overlay_start_1:
0x0: {  	(tag) =	ssettag $0x1  }
0x1: {  	s3 =	rddreg [dreg:$0x0];
	s2 =	srdreg.scid  }
0x2: {  	s0 =	rddreg [dreg:$0x1];
	s1 =	stileid.u32  }
0x3: {  	s8 =	simm.s32 $0x400;
	s9 =	simm.s32 $0x0;
	s4 =	sand.u32 $0x1, s2  }
0x4: {  	s5 =	sshrl.u32 s1, $0x2;
	s6 =	sshll.u32 s1, $0x8;
	s28 =	smul.u32 $0xA00, s1  }
0x5: {  	s2 =	simm.s32 $0x0;
	s7 =	sshll.u32 s4, $0x7;
	s5 =	smul.u32 $0x13C00, s5  }
0x6: {  	[smem:$0x7FF] =	sst s2;
	s29 =	ssub.s32 $0x2, s4;
	s6 =	sor.u32 s7, s6  }
0x7: {  	s4 =	smul.u32 $0x500, s4;
	_ =	strace $0x80000047;
	s6 =	sand.u32 $0x380, s6  }
0x8: {  	s7 =	sadd.s32 s28, s3;
	s30 =	sshrl.u32 s29, $0x1;
	s5 =	sor.u32 s5, s6  }
0x9: {  	s31 =	sadd.s32 s4, s7;
	s7 =	simm.s32 $0x80;
	s5 =	sshrl.u32 s5, $0x3  }
0xa: {  	s6 =	simm.s32 $0x1;
	s3 =	sadd.s32 s5, s3;
	s5 =	ssub.s32 s29, s30  }
0xb: {  	v0 =	vimm.f32 $0.0e+00;
	v1 =	vimm.f32 $1.000000000e+00;
	s3 =	sadd.s32 $0xCA00, s3;
	s4 =	smax.u32 s5, $0x1;
	s5 =	sadd.s32 $0x2A00, s31  }
.LBB2_1:
0xc: {  	s10 =	simm.s32 $0x0  }
.LBB2_2:
0xd: {  	p0 =	sne.s32 s10, $0x9DC0  }
.Ltmp0:
0xe: {  	_ = 	snop;
	(pc) =	sbr.rel @p0 .LBB2_2-.Ltmp0, $3  }
0xf: {  	_ =	sdelay $0x1  }
0x10: {  	s11 =	sshra.s32 s10, $0x2  }
0x11: {  	s10 =	sadd.s32 $0x40, s10;
	[tilespmem:s11+$0x80] =	vst v0  }
0x12: {  	s10 =	simm.s32 $0x0  }
.LBB2_4:
0x13: {  	s11 =	sadd.s32 s10, s5  }
0x14: {  	[tilespmem:s2], [sflag:$0x1] =	stream.linear.gather [hbm4b:s11+s2], $0x80, $0x38;
	[tilespmem:$0x2800] =	vst v63  }
0x15: {  	_ =	swait.ge [sflag:s6], $0x80  }
0x16: {  	[sflag:s6] =	ssyncset.done $0x0  }
0x17: {  	[sflag:s6] =	ssyncadd.s32 $0xFFFFFF80  }
0x18: {  	v2 =	vld [tilespmem:$0x0];
	_ =	sdelay $0x7  }
0x19: {  	[tilespmem:v2+s7+$0x0] =	vst.idx.add.f32.msk $0xffff, v1  }
0x1a: {  	v2 =	vld [tilespmem:$0x10];
	_ =	sdelay $0x7  }
0x1b: {  	[tilespmem:v2+s7+$0x0] =	vst.idx.add.f32.msk $0xffff, v1  }
0x1c: {  	v2 =	vld [tilespmem:$0x20];
	_ =	sdelay $0x7  }
0x1d: {  	[tilespmem:v2+s7+$0x0] =	vst.idx.add.f32.msk $0xffff, v1  }
0x1e: {  	v2 =	vld [tilespmem:$0x30];
	_ =	sdelay $0x7  }
0x1f: {  	[tilespmem:v2+s7+$0x0] =	vst.idx.add.f32.msk $0xffff, v1  }
0x20: {  	v2 =	vld [tilespmem:$0x40];
	_ =	sdelay $0x7  }
0x21: {  	[tilespmem:v2+s7+$0x0] =	vst.idx.add.f32.msk $0xffff, v1  }
0x22: {  	v2 =	vld [tilespmem:$0x50];
	_ =	sdelay $0x7  }
0x23: {  	[tilespmem:v2+s7+$0x0] =	vst.idx.add.f32.msk $0xffff, v1  }
0x24: {  	v2 =	vld [tilespmem:$0x60];
	_ =	sdelay $0x7  }
0x25: {  	[tilespmem:v2+s7+$0x0] =	vst.idx.add.f32.msk $0xffff, v1  }
0x26: {  	v2 =	vld [tilespmem:$0x70];
	_ =	sdelay $0x2  }
0x27: {  	p0 =	sne.s32 s10, $0x4F0  }
.Ltmp1:
0x28: {  	_ = 	snop;
	(pc) =	sbr.rel @p0 .LBB2_4-.Ltmp1, $2  }
0x29: {  	_ =	sdelay $0x2  }
0x2a: {  	s10 =	sadd.s32 $0x10, s10;
	[tilespmem:v2+s7+$0x0] =	vst.idx.add.f32.msk $0xffff, v1  }
0x2b: {  	s9 =	sadd.s32 $0x1, s9  }
0x2c: {  	p0 =	sne.s32 s9, s4  }
.Ltmp2:
0x2d: {  	_ = 	snop;
	(pc) =	sbr.rel @p0 .LBB2_1-.Ltmp2, $4  }
0x2e: {  	[hbm4b:s3+s7] =	stream.strided.scatter [tilespmem:s7], [sflag:$0x1], $0x2780, s8, s7, $0x38;
	[tilespmem:$0x2800] =	vst v63  }
0x2f: {  	_ =	swait.ge [sflag:s6], $0x2780  }
0x30: {  	[sflag:s6] =	ssyncset.done $0x0  }
0x31: {  	[sflag:s6] =	ssyncadd.s32 $0xFFFFD880  }
0x32: {  	_ =	sfence.sel $0x180000  }
0x33: {  	[bflag:$0x0] =	sbarrier.arrive $0xFFFF  }
0x34: {  	p0 =	sne.s32 s1, $0x0;
	_ =	strace $0x90000047  }
0x35: {  	s0 =	sadd.s32 @!p0 $0x100000, s0;
	[bflag:$0x2] =	sbarrier.arrive $0xFFFF  }
0x36: {  	[sflag:s0] =	ssyncadd.tile.s32 @!p0 $0x1;
	_ =	shalt  }
.Lfunc_end2:
_tile_overlayer_lowered:
.L_overlay_start_2:
0x37: {  	(tag) =	ssettag $0x2  }
0x38: {  	s0 =	rddreg [dreg:$0x0];
	s2 =	stileid.u32  }
0x39: {  	s1 =	rddreg [dreg:$0x1];
	p0 =	sne.s32 s2, $0x0  }
0x3a: {  	s3 =	rddreg [dreg:$0x2];
	[bflag:$0x3] =	sbarrier.arrive $0xFFFF;
	s2 =	simm.s32 @!p0 $0x1C01  }
0x3b: {  	[timem:s3], [sflag:s2] =	dma.local @!p0 [hbm:s0], s1  }
0x3c: {  	s0 =	simm.s32 @!p0 $0x1  }
0x3d: {  	_ =	swait.ge @!p0 [sflag:s0], s1  }
0x3e: {  	s1 =	ssub.s32 @!p0 $0x0, s1;
	[sflag:s0] =	ssyncset.done @!p0 $0x0  }
0x3f: {  	[sflag:s0] =	ssyncadd.s32 @!p0 s1  }
0x40: {  	[bflag:$0x3] =	sbarrier.arrive $0xFFFF  }
0x41: {  	_ =	shalt  }

</sc_bundles>
